<compile_context>
chip_gen: v7x
topology: tpu7x:2x2x1
jax: 0.10.2.dev20260603
libtpu: 0.0.44.dev20260713+nightly
codegen_flags: <defaults>
</compile_context>

<pallas_src>
import functools

import jax
import jax.numpy as jnp
from jax import lax
from jax.experimental import pallas as pl
from jax.experimental.pallas import tpu as pltpu
from jax.experimental.pallas import tpu_sc as plsc

B, L, HIDDEN = 1024, 200, 128
VOCAB = 100000
NB0 = 50000
BL = B * L


_BLK = 10000
_NBLK0 = NB0 // _BLK


def _pack_bf16_words(x):
    lo = lax.bitcast_convert_type(x[:, :HIDDEN // 2], jnp.int32)
    hi = lax.bitcast_convert_type(x[:, HIDDEN // 2:], jnp.int32)
    return lax.shift_right_logical(lo, 16) | (hi & -65536)


def _table_body(emb0_ref, emb1_ref, factor1_ref, count_ref, value_ref,
                io_ref, posw_ref, big_out, s_out, pos_out):
    i = pl.program_id(0)

    @pl.when(i < _NBLK0)
    def _copy():
        big_out[...] = emb0_ref[...]

    @pl.when(i >= _NBLK0)
    def _proj():
        big_out[...] = jnp.dot(emb1_ref[...], factor1_ref[...],
                               preferred_element_type=jnp.float32)

    @pl.when(i == 0)
    def _small():
        s = (count_ref[...][:, None, None, :]
             + value_ref[...][None, :, None, :]
             + io_ref[...][None, None, :, :])
        s_out[...] = _pack_bf16_words(s.reshape(675, HIDDEN))
        pos_out[...] = _pack_bf16_words(posw_ref[...])


def _build_tables(emb0, emb1, factor1, count_w, value_w, io_w, pos_w):
    zero = lambda i: (0, 0)
    return pl.pallas_call(
        _table_body,
        grid=(2 * _NBLK0,),
        in_specs=[
            pl.BlockSpec((_BLK, HIDDEN), lambda i: (jnp.minimum(i, _NBLK0 - 1), 0)),
            pl.BlockSpec((_BLK, 32), lambda i: (jnp.maximum(i - _NBLK0, 0), 0)),
            pl.BlockSpec((32, HIDDEN), zero),
            pl.BlockSpec((15, HIDDEN), zero),
            pl.BlockSpec((15, HIDDEN), zero),
            pl.BlockSpec((3, HIDDEN), zero),
            pl.BlockSpec((L, HIDDEN), zero),
        ],
        out_specs=(pl.BlockSpec((_BLK, HIDDEN), lambda i: (i, 0)),
                   pl.BlockSpec((675, HIDDEN // 2), zero),
                   pl.BlockSpec((L, HIDDEN // 2), zero)),
        out_shape=(jax.ShapeDtypeStruct((VOCAB, HIDDEN), jnp.float32),
                   jax.ShapeDtypeStruct((675, HIDDEN // 2), jnp.int32),
                   jax.ShapeDtypeStruct((L, HIDDEN // 2), jnp.int32)),
    )(emb0, emb1, factor1, count_w, value_w, io_w, pos_w)



_NW = 32
_TPW = BL // _NW
_CH = 128
_NCH = _TPW // _CH
_NCC = _NCH // 2

def _bf16_halves(w):
    v = plsc.bitcast(w, jnp.bfloat16)
    return plsc.unpack(v, format=plsc.PackFormat.INTERLEAVED)


def _sc_body(big_hbm, s_hbm, posw_hbm, ids_hbm, vci_hbm, pos_hbm, out_hbm,
             ids_loc, vci_loc, pos_loc,
             brow0, brow1, srow0, srow1, prow0, prow1, obuf0, obuf1,
             g00, g10, g20, g01, g11, g21, o0, o1):
    wid = lax.axis_index("s") * 2 + lax.axis_index("c")
    wbase = wid * _TPW

    pltpu.sync_copy(ids_hbm.at[wid], ids_loc)
    pltpu.sync_copy(vci_hbm.at[wid], vci_loc)
    pltpu.sync_copy(pos_hbm.at[wid], pos_loc)

    sets = ((brow0, srow0, prow0, obuf0, g00, g10, g20, o0),
            (brow1, srow1, prow1, obuf1, g01, g11, g21, o1))

    def fire_gathers(c, bset):
        brow, srow, prow = bset[0], bset[1], bset[2]
        pltpu.async_copy(big_hbm.at[ids_loc.at[c]], brow, bset[4])
        pltpu.async_copy(s_hbm.at[vci_loc.at[c]], srow, bset[5])
        pltpu.async_copy(posw_hbm.at[pos_loc.at[c]], prow, bset[6])

    def wait_gathers(c, bset):
        pltpu.make_async_copy(big_hbm.at[ids_loc.at[c]], bset[0], bset[4]).wait()
        pltpu.make_async_copy(s_hbm.at[vci_loc.at[c]], bset[1], bset[5]).wait()
        pltpu.make_async_copy(posw_hbm.at[pos_loc.at[c]], bset[2], bset[6]).wait()

    fire_gathers(0, sets[0])
    fire_gathers(1, sets[1])

    def loop_body(cc, carry):
        for b in (0, 1):
            brow, srow, prow, obuf, _, _, _, osem = sets[b]
            c = 2 * cc + b
            base = wbase + c * _CH
            out_slice = out_hbm.at[pl.ds(base, _CH)]
            wait_gathers(c, sets[b])

            @pl.when(cc > 0)
            def _drain():
                pltpu.make_async_copy(obuf, out_slice, osem).wait()

            @plsc.parallel_loop(0, _CH, unroll=4)
            def row_body(t):
                for j in range(4):
                    sl = pl.ds(j * 16, 16)
                    sh = pl.ds(HIDDEN // 2 + j * 16, 16)
                    slo, shi = _bf16_halves(srow[t, sl])
                    plo, phi = _bf16_halves(prow[t, sl])
                    obuf[t, sl] = brow[t, sl] + slo + plo
                    obuf[t, sh] = brow[t, sh] + shi + phi
            pltpu.async_copy(obuf, out_slice, osem)

            @pl.when(cc < _NCC - 1)
            def _prefetch():
                fire_gathers(c + 2, sets[b])
        return carry

    lax.fori_loop(0, _NCC, loop_body, 0)

    for b in (0, 1):
        obuf, osem = sets[b][3], sets[b][7]
        pltpu.make_async_copy(obuf, out_hbm.at[pl.ds(wbase, _CH)], osem).wait()


_sc_gather = functools.partial(
    pl.kernel,
    out_type=jax.ShapeDtypeStruct((BL, HIDDEN), jnp.float32),
    mesh=plsc.VectorSubcoreMesh(core_axis_name="c", subcore_axis_name="s"),
    compiler_params=pltpu.CompilerParams(needs_layout_passes=False,
                                         use_tc_tiling_on_sc=False),
    scratch_types=[
        pltpu.VMEM((_NCH, _CH), jnp.int32),
        pltpu.VMEM((_NCH, _CH), jnp.int32),
        pltpu.VMEM((_NCH, _CH), jnp.int32),
        pltpu.VMEM((_CH, HIDDEN), jnp.float32),
        pltpu.VMEM((_CH, HIDDEN), jnp.float32),
        pltpu.VMEM((_CH, HIDDEN // 2), jnp.int32),
        pltpu.VMEM((_CH, HIDDEN // 2), jnp.int32),
        pltpu.VMEM((_CH, HIDDEN // 2), jnp.int32),
        pltpu.VMEM((_CH, HIDDEN // 2), jnp.int32),
        pltpu.VMEM((_CH, HIDDEN), jnp.float32),
        pltpu.VMEM((_CH, HIDDEN), jnp.float32),
        pltpu.SemaphoreType.DMA,
        pltpu.SemaphoreType.DMA,
        pltpu.SemaphoreType.DMA,
        pltpu.SemaphoreType.DMA,
        pltpu.SemaphoreType.DMA,
        pltpu.SemaphoreType.DMA,
        pltpu.SemaphoreType.DMA,
        pltpu.SemaphoreType.DMA,
    ],
)(_sc_body)


def kernel(input_ids, counts, values, io_flags, positions,
           emb0, emb1, factor1, value_w, count_w, pos_w, io_w):
    big, s_tab, pos_tab = _build_tables(emb0, emb1, factor1,
                                        count_w, value_w, io_w, pos_w)
    shp = (_NW, _NCH, _CH)
    vci = counts * 45 + values * 3 + io_flags
    out = _sc_gather(big, s_tab, pos_tab,
                     input_ids.reshape(shp), vci.reshape(shp),
                     positions.reshape(shp))
    return out.reshape(B, L, HIDDEN)

# --- scband reference (transcript-rebuilt; emitter-appended) ---
"""Pipeline reference for scband-bertembedding-10522669875542 (READ-ONLY COPY).

The authoritative reference and input builder live on the scoring server;
editing this copy changes nothing except your own understanding.
"""

import jax, jax.numpy as jnp
import numpy as np

B, L, HIDDEN = 1024, 200, 128
VOCAB = 100000
BUCKETS = [(0, 49999), (50000, 99999)]
FACTORS = [128, 32]


def _trunc_normal(k, shape, std=0.02):
    return jnp.clip(jax.random.normal(k, shape, dtype=jnp.float32) * std, -1.0, 1.0)


def setup_inputs(seed: int = 0) -> dict:
    key = jax.random.key(seed)
    ks = jax.random.split(key, 12)
    input_ids = jax.random.randint(ks[0], (B, L), 0, VOCAB, dtype=jnp.int32)
    counts = jax.random.randint(ks[1], (B, L), 0, 15, dtype=jnp.int32)
    values = jax.random.randint(ks[2], (B, L), 0, 15, dtype=jnp.int32)
    io_flags = jax.random.randint(ks[3], (B, L), 0, 3, dtype=jnp.int32)
    positions = jax.random.randint(ks[4], (B, L), 0, L, dtype=jnp.int32)
    # Space_Partitioning_Embedding params (padding_idx=0 -> row 0 zeroed)
    emb0 = _trunc_normal(ks[5], (BUCKETS[0][1] - BUCKETS[0][0] + 1, FACTORS[0])).at[0].set(0.0)
    emb1 = _trunc_normal(ks[6], (BUCKETS[1][1] - BUCKETS[1][0] + 1, FACTORS[1])).at[0].set(0.0)
    factor1 = _trunc_normal(ks[7], (FACTORS[1], HIDDEN))
    # TokenEmbedding weights uniform(-0.02, 0.02)
    value_w = jax.random.uniform(ks[8], (15, HIDDEN), minval=-0.02, maxval=0.02, dtype=jnp.float32)
    count_w = jax.random.uniform(ks[9], (15, HIDDEN), minval=-0.02, maxval=0.02, dtype=jnp.float32)
    # PositionalEmbedding: fresh nn.Embedding weight (random normal)
    pos_w = jax.random.normal(ks[10], (L, HIDDEN), dtype=jnp.float32)
    # SegmentEmbedding (3, hidden), padding_idx=0
    io_w = jax.random.normal(ks[11], (3, HIDDEN), dtype=jnp.float32).at[0].set(0.0)
    return {
        "input_ids": input_ids, "counts": counts, "values": values,
        "io_flags": io_flags, "positions": positions,
        "emb0": emb0, "emb1": emb1, "factor1": factor1,
        "value_w": value_w, "count_w": count_w, "pos_w": pos_w, "io_w": io_w,
    }


def _token_embed(input_ids, emb0, emb1, factor1):
    # bucket 0: direct embedding (no factor matmul)
    lo0, hi0 = BUCKETS[0]
    m0 = ((input_ids >= lo0) & (input_ids <= hi0)).astype(jnp.int32)
    e0 = jnp.take(emb0, (input_ids - lo0) * m0, axis=0)
    out = e0 * m0[..., None].astype(jnp.float32)
    # bucket 1: low-rank embedding projected by factor table
    lo1, hi1 = BUCKETS[1]
    m1 = ((input_ids >= lo1) & (input_ids <= hi1)).astype(jnp.int32)
    e1 = jnp.take(emb1, (input_ids - lo1) * m1, axis=0)
    out = out + jnp.matmul(e1, factor1) * m1[..., None].astype(jnp.float32)
    return out


def reference(input_ids, counts, values, io_flags, positions,
              emb0, emb1, factor1, value_w, count_w, pos_w, io_w):
    x = (_token_embed(input_ids, emb0, emb1, factor1)
         + jnp.take(count_w, counts, axis=0)
         + jnp.take(pos_w, positions, axis=0)
         + jnp.take(io_w, io_flags, axis=0)
         + jnp.take(value_w, values, axis=0))
    # dropout is identity in eval mode
    return x

if __name__ == "__main__":
    import jax
    _d = setup_inputs()
    print(jax.jit(kernel)(*tuple(_d.values())))

</pallas_src>

<mosaic_0001>
#map = affine_map<(d0, d1) -> (0, 0)>
#map1 = affine_map<(d0, d1) -> (0, 0, 0)>
module attributes {stable_mosaic.version = 14 : i64} {
  func.func @_sc_body(%arg0: i32, %arg1: i32, %arg2: memref<100000x128xf32, #tpu.memory_space<hbm>>, %arg3: memref<675x64xi32, #tpu.memory_space<hbm>>, %arg4: memref<200x64xi32, #tpu.memory_space<hbm>>, %arg5: memref<32x50x128xi32, #tpu.memory_space<hbm>>, %arg6: memref<32x50x128xi32, #tpu.memory_space<hbm>>, %arg7: memref<32x50x128xi32, #tpu.memory_space<hbm>>, %arg8: memref<204800x128xf32, #tpu.memory_space<hbm>>, %arg9: memref<50x128xi32, #tpu.memory_space<vmem>>, %arg10: memref<50x128xi32, #tpu.memory_space<vmem>>, %arg11: memref<50x128xi32, #tpu.memory_space<vmem>>, %arg12: memref<128x128xf32, #tpu.memory_space<vmem>>, %arg13: memref<128x128xf32, #tpu.memory_space<vmem>>, %arg14: memref<128x64xi32, #tpu.memory_space<vmem>>, %arg15: memref<128x64xi32, #tpu.memory_space<vmem>>, %arg16: memref<128x64xi32, #tpu.memory_space<vmem>>, %arg17: memref<128x64xi32, #tpu.memory_space<vmem>>, %arg18: memref<128x128xf32, #tpu.memory_space<vmem>>, %arg19: memref<128x128xf32, #tpu.memory_space<vmem>>, %arg20: memref<!tpu.dma_semaphore, #tpu.memory_space<semaphore_mem>>, %arg21: memref<!tpu.dma_semaphore, #tpu.memory_space<semaphore_mem>>, %arg22: memref<!tpu.dma_semaphore, #tpu.memory_space<semaphore_mem>>, %arg23: memref<!tpu.dma_semaphore, #tpu.memory_space<semaphore_mem>>, %arg24: memref<!tpu.dma_semaphore, #tpu.memory_space<semaphore_mem>>, %arg25: memref<!tpu.dma_semaphore, #tpu.memory_space<semaphore_mem>>, %arg26: memref<!tpu.dma_semaphore, #tpu.memory_space<semaphore_mem>>, %arg27: memref<!tpu.dma_semaphore, #tpu.memory_space<semaphore_mem>>) attributes {dimension_semantics = [#tpu.dimension_semantics<core_parallel>, #tpu.dimension_semantics<subcore_parallel>], iteration_bounds = array<i64: 2, 16>, scalar_prefetch = 0 : i64, scratch_operands = 19 : i64, tpu.core_type = #tpu.core_type<sc_vector_subcore>, window_params = [{transform_indices = #map}, {transform_indices = #map}, {transform_indices = #map}, {transform_indices = #map1}, {transform_indices = #map1}, {transform_indices = #map1}, {transform_indices = #map}]} {
    %mul3A = arith.constant 2 : i32
    %mul3A_0 = arith.muli %arg1, %mul3A : i32
    %add3A = arith.addi %mul3A_0, %arg0 : i32
    %mul3A_1 = arith.constant 6400 : i32
    %mul3A_2 = arith.muli %add3A, %mul3A_1 : i32
    "tpu.region"() ({
      %run_scoped3A = tpu.sem_alloc : memref<!tpu.dma_semaphore, #tpu.memory_space<semaphore_mem>>
      %dma_start3A_56 = arith.constant 0 : i32
      %dma_start3A_57 = arith.constant 0 : i32
      %dma_start3A_58 = tpu.memref_slice %arg5[%add3A, %dma_start3A_56, %dma_start3A_57] : memref<32x50x128xi32, #tpu.memory_space<hbm>> -> memref<1x50x128xi32, #tpu.memory_space<hbm>>
      %dma_start3A_59 = tpu.memref_squeeze %dma_start3A_58 : memref<1x50x128xi32, #tpu.memory_space<hbm>> -> memref<50x128xi32, #tpu.memory_space<hbm>>
      %dma_start3A_60 = arith.constant 0 : i32
      %dma_start3A_61 = arith.constant 0 : i32
      %dma_start3A_62 = tpu.memref_slice %arg5[%add3A, %dma_start3A_60, %dma_start3A_61] : memref<32x50x128xi32, #tpu.memory_space<hbm>> -> memref<1x50x128xi32, #tpu.memory_space<hbm>>
      %dma_start3A_63 = tpu.memref_squeeze %dma_start3A_62 : memref<1x50x128xi32, #tpu.memory_space<hbm>> -> memref<50x128xi32, #tpu.memory_space<hbm>>
      tpu.enqueue_dma source(%dma_start3A_63 : memref<50x128xi32, #tpu.memory_space<hbm>>) target(%arg9 : memref<50x128xi32, #tpu.memory_space<vmem>>) target_semaphore(%run_scoped3A : memref<!tpu.dma_semaphore, #tpu.memory_space<semaphore_mem>>)
      %dma_wait3A_64 = arith.constant 0 : i32
      %dma_wait3A_65 = arith.constant 0 : i32
      %dma_wait3A_66 = tpu.memref_slice %arg5[%add3A, %dma_wait3A_64, %dma_wait3A_65] : memref<32x50x128xi32, #tpu.memory_space<hbm>> -> memref<1x50x128xi32, #tpu.memory_space<hbm>>
      %dma_wait3A_67 = tpu.memref_squeeze %dma_wait3A_66 : memref<1x50x128xi32, #tpu.memory_space<hbm>> -> memref<50x128xi32, #tpu.memory_space<hbm>>
      %dma_wait3A_68 = arith.constant 0 : i32
      %dma_wait3A_69 = arith.constant 0 : i32
      %dma_wait3A_70 = tpu.memref_slice %arg5[%add3A, %dma_wait3A_68, %dma_wait3A_69] : memref<32x50x128xi32, #tpu.memory_space<hbm>> -> memref<1x50x128xi32, #tpu.memory_space<hbm>>
      %dma_wait3A_71 = tpu.memref_squeeze %dma_wait3A_70 : memref<1x50x128xi32, #tpu.memory_space<hbm>> -> memref<50x128xi32, #tpu.memory_space<hbm>>
      tpu.wait_dma2 semaphore(%run_scoped3A : memref<!tpu.dma_semaphore, #tpu.memory_space<semaphore_mem>>) src(%dma_wait3A_71 : memref<50x128xi32, #tpu.memory_space<hbm>>) dst(%arg9 : memref<50x128xi32, #tpu.memory_space<vmem>>)
      tpu.yield
    }) : () -> ()
    "tpu.region"() ({
      %run_scoped3A = tpu.sem_alloc : memref<!tpu.dma_semaphore, #tpu.memory_space<semaphore_mem>>
      %dma_start3A_56 = arith.constant 0 : i32
      %dma_start3A_57 = arith.constant 0 : i32
      %dma_start3A_58 = tpu.memref_slice %arg6[%add3A, %dma_start3A_56, %dma_start3A_57] : memref<32x50x128xi32, #tpu.memory_space<hbm>> -> memref<1x50x128xi32, #tpu.memory_space<hbm>>
      %dma_start3A_59 = tpu.memref_squeeze %dma_start3A_58 : memref<1x50x128xi32, #tpu.memory_space<hbm>> -> memref<50x128xi32, #tpu.memory_space<hbm>>
      %dma_start3A_60 = arith.constant 0 : i32
      %dma_start3A_61 = arith.constant 0 : i32
      %dma_start3A_62 = tpu.memref_slice %arg6[%add3A, %dma_start3A_60, %dma_start3A_61] : memref<32x50x128xi32, #tpu.memory_space<hbm>> -> memref<1x50x128xi32, #tpu.memory_space<hbm>>
      %dma_start3A_63 = tpu.memref_squeeze %dma_start3A_62 : memref<1x50x128xi32, #tpu.memory_space<hbm>> -> memref<50x128xi32, #tpu.memory_space<hbm>>
      tpu.enqueue_dma source(%dma_start3A_63 : memref<50x128xi32, #tpu.memory_space<hbm>>) target(%arg10 : memref<50x128xi32, #tpu.memory_space<vmem>>) target_semaphore(%run_scoped3A : memref<!tpu.dma_semaphore, #tpu.memory_space<semaphore_mem>>)
      %dma_wait3A_64 = arith.constant 0 : i32
      %dma_wait3A_65 = arith.constant 0 : i32
      %dma_wait3A_66 = tpu.memref_slice %arg6[%add3A, %dma_wait3A_64, %dma_wait3A_65] : memref<32x50x128xi32, #tpu.memory_space<hbm>> -> memref<1x50x128xi32, #tpu.memory_space<hbm>>
      %dma_wait3A_67 = tpu.memref_squeeze %dma_wait3A_66 : memref<1x50x128xi32, #tpu.memory_space<hbm>> -> memref<50x128xi32, #tpu.memory_space<hbm>>
      %dma_wait3A_68 = arith.constant 0 : i32
      %dma_wait3A_69 = arith.constant 0 : i32
      %dma_wait3A_70 = tpu.memref_slice %arg6[%add3A, %dma_wait3A_68, %dma_wait3A_69] : memref<32x50x128xi32, #tpu.memory_space<hbm>> -> memref<1x50x128xi32, #tpu.memory_space<hbm>>
      %dma_wait3A_71 = tpu.memref_squeeze %dma_wait3A_70 : memref<1x50x128xi32, #tpu.memory_space<hbm>> -> memref<50x128xi32, #tpu.memory_space<hbm>>
      tpu.wait_dma2 semaphore(%run_scoped3A : memref<!tpu.dma_semaphore, #tpu.memory_space<semaphore_mem>>) src(%dma_wait3A_71 : memref<50x128xi32, #tpu.memory_space<hbm>>) dst(%arg10 : memref<50x128xi32, #tpu.memory_space<vmem>>)
      tpu.yield
    }) : () -> ()
    "tpu.region"() ({
      %run_scoped3A = tpu.sem_alloc : memref<!tpu.dma_semaphore, #tpu.memory_space<semaphore_mem>>
      %dma_start3A_56 = arith.constant 0 : i32
      %dma_start3A_57 = arith.constant 0 : i32
      %dma_start3A_58 = tpu.memref_slice %arg7[%add3A, %dma_start3A_56, %dma_start3A_57] : memref<32x50x128xi32, #tpu.memory_space<hbm>> -> memref<1x50x128xi32, #tpu.memory_space<hbm>>
      %dma_start3A_59 = tpu.memref_squeeze %dma_start3A_58 : memref<1x50x128xi32, #tpu.memory_space<hbm>> -> memref<50x128xi32, #tpu.memory_space<hbm>>
      %dma_start3A_60 = arith.constant 0 : i32
      %dma_start3A_61 = arith.constant 0 : i32
      %dma_start3A_62 = tpu.memref_slice %arg7[%add3A, %dma_start3A_60, %dma_start3A_61] : memref<32x50x128xi32, #tpu.memory_space<hbm>> -> memref<1x50x128xi32, #tpu.memory_space<hbm>>
      %dma_start3A_63 = tpu.memref_squeeze %dma_start3A_62 : memref<1x50x128xi32, #tpu.memory_space<hbm>> -> memref<50x128xi32, #tpu.memory_space<hbm>>
      tpu.enqueue_dma source(%dma_start3A_63 : memref<50x128xi32, #tpu.memory_space<hbm>>) target(%arg11 : memref<50x128xi32, #tpu.memory_space<vmem>>) target_semaphore(%run_scoped3A : memref<!tpu.dma_semaphore, #tpu.memory_space<semaphore_mem>>)
      %dma_wait3A_64 = arith.constant 0 : i32
      %dma_wait3A_65 = arith.constant 0 : i32
      %dma_wait3A_66 = tpu.memref_slice %arg7[%add3A, %dma_wait3A_64, %dma_wait3A_65] : memref<32x50x128xi32, #tpu.memory_space<hbm>> -> memref<1x50x128xi32, #tpu.memory_space<hbm>>
      %dma_wait3A_67 = tpu.memref_squeeze %dma_wait3A_66 : memref<1x50x128xi32, #tpu.memory_space<hbm>> -> memref<50x128xi32, #tpu.memory_space<hbm>>
      %dma_wait3A_68 = arith.constant 0 : i32
      %dma_wait3A_69 = arith.constant 0 : i32
      %dma_wait3A_70 = tpu.memref_slice %arg7[%add3A, %dma_wait3A_68, %dma_wait3A_69] : memref<32x50x128xi32, #tpu.memory_space<hbm>> -> memref<1x50x128xi32, #tpu.memory_space<hbm>>
      %dma_wait3A_71 = tpu.memref_squeeze %dma_wait3A_70 : memref<1x50x128xi32, #tpu.memory_space<hbm>> -> memref<50x128xi32, #tpu.memory_space<hbm>>
      tpu.wait_dma2 semaphore(%run_scoped3A : memref<!tpu.dma_semaphore, #tpu.memory_space<semaphore_mem>>) src(%dma_wait3A_71 : memref<50x128xi32, #tpu.memory_space<hbm>>) dst(%arg11 : memref<50x128xi32, #tpu.memory_space<vmem>>)
      tpu.yield
    }) : () -> ()
    %dma_start3A = arith.constant 0 : i32
    %dma_start3A_3 = arith.constant 0 : i32
    %dma_start3A_4 = tpu.memref_slice %arg9[%dma_start3A, %dma_start3A_3] : memref<50x128xi32, #tpu.memory_space<vmem>> -> memref<1x128xi32, #tpu.memory_space<vmem>>
    %dma_start3A_5 = tpu.memref_squeeze %dma_start3A_4 : memref<1x128xi32, #tpu.memory_space<vmem>> -> memref<128xi32, #tpu.memory_space<vmem>>
    %dma_start3A_6 = arith.constant 0 : i32
    %dma_start3A_7 = arith.constant 0 : i32
    %dma_start3A_8 = tpu.memref_slice %arg2[%dma_start3A_6, %dma_start3A_7] : memref<100000x128xf32, #tpu.memory_space<hbm>> -> memref<100000x128xf32, #tpu.memory_space<hbm>>
    tpu.enqueue_indirect_dma source(%dma_start3A_8 : memref<100000x128xf32, #tpu.memory_space<hbm>>) target(%arg12 : memref<128x128xf32, #tpu.memory_space<vmem>>) offsets(%dma_start3A_5 : memref<128xi32, #tpu.memory_space<vmem>>) semaphore(%arg20 : memref<!tpu.dma_semaphore, #tpu.memory_space<semaphore_mem>>)
    %dma_start3A_9 = arith.constant 0 : i32
    %dma_start3A_10 = arith.constant 0 : i32
    %dma_start3A_11 = tpu.memref_slice %arg10[%dma_start3A_9, %dma_start3A_10] : memref<50x128xi32, #tpu.memory_space<vmem>> -> memref<1x128xi32, #tpu.memory_space<vmem>>
    %dma_start3A_12 = tpu.memref_squeeze %dma_start3A_11 : memref<1x128xi32, #tpu.memory_space<vmem>> -> memref<128xi32, #tpu.memory_space<vmem>>
    %dma_start3A_13 = arith.constant 0 : i32
    %dma_start3A_14 = arith.constant 0 : i32
    %dma_start3A_15 = tpu.memref_slice %arg3[%dma_start3A_13, %dma_start3A_14] : memref<675x64xi32, #tpu.memory_space<hbm>> -> memref<675x64xi32, #tpu.memory_space<hbm>>
    tpu.enqueue_indirect_dma source(%dma_start3A_15 : memref<675x64xi32, #tpu.memory_space<hbm>>) target(%arg14 : memref<128x64xi32, #tpu.memory_space<vmem>>) offsets(%dma_start3A_12 : memref<128xi32, #tpu.memory_space<vmem>>) semaphore(%arg21 : memref<!tpu.dma_semaphore, #tpu.memory_space<semaphore_mem>>)
    %dma_start3A_16 = arith.constant 0 : i32
    %dma_start3A_17 = arith.constant 0 : i32
    %dma_start3A_18 = tpu.memref_slice %arg11[%dma_start3A_16, %dma_start3A_17] : memref<50x128xi32, #tpu.memory_space<vmem>> -> memref<1x128xi32, #tpu.memory_space<vmem>>
    %dma_start3A_19 = tpu.memref_squeeze %dma_start3A_18 : memref<1x128xi32, #tpu.memory_space<vmem>> -> memref<128xi32, #tpu.memory_space<vmem>>
    %dma_start3A_20 = arith.constant 0 : i32
    %dma_start3A_21 = arith.constant 0 : i32
    %dma_start3A_22 = tpu.memref_slice %arg4[%dma_start3A_20, %dma_start3A_21] : memref<200x64xi32, #tpu.memory_space<hbm>> -> memref<200x64xi32, #tpu.memory_space<hbm>>
    tpu.enqueue_indirect_dma source(%dma_start3A_22 : memref<200x64xi32, #tpu.memory_space<hbm>>) target(%arg16 : memref<128x64xi32, #tpu.memory_space<vmem>>) offsets(%dma_start3A_19 : memref<128xi32, #tpu.memory_space<vmem>>) semaphore(%arg22 : memref<!tpu.dma_semaphore, #tpu.memory_space<semaphore_mem>>)
    %dma_start3A_23 = arith.constant 1 : i32
    %dma_start3A_24 = arith.constant 0 : i32
    %dma_start3A_25 = tpu.memref_slice %arg9[%dma_start3A_23, %dma_start3A_24] : memref<50x128xi32, #tpu.memory_space<vmem>> -> memref<1x128xi32, #tpu.memory_space<vmem>>
    %dma_start3A_26 = tpu.memref_squeeze %dma_start3A_25 : memref<1x128xi32, #tpu.memory_space<vmem>> -> memref<128xi32, #tpu.memory_space<vmem>>
    %dma_start3A_27 = arith.constant 0 : i32
    %dma_start3A_28 = arith.constant 0 : i32
    %dma_start3A_29 = tpu.memref_slice %arg2[%dma_start3A_27, %dma_start3A_28] : memref<100000x128xf32, #tpu.memory_space<hbm>> -> memref<100000x128xf32, #tpu.memory_space<hbm>>
    tpu.enqueue_indirect_dma source(%dma_start3A_29 : memref<100000x128xf32, #tpu.memory_space<hbm>>) target(%arg13 : memref<128x128xf32, #tpu.memory_space<vmem>>) offsets(%dma_start3A_26 : memref<128xi32, #tpu.memory_space<vmem>>) semaphore(%arg23 : memref<!tpu.dma_semaphore, #tpu.memory_space<semaphore_mem>>)
    %dma_start3A_30 = arith.constant 1 : i32
    %dma_start3A_31 = arith.constant 0 : i32
    %dma_start3A_32 = tpu.memref_slice %arg10[%dma_start3A_30, %dma_start3A_31] : memref<50x128xi32, #tpu.memory_space<vmem>> -> memref<1x128xi32, #tpu.memory_space<vmem>>
    %dma_start3A_33 = tpu.memref_squeeze %dma_start3A_32 : memref<1x128xi32, #tpu.memory_space<vmem>> -> memref<128xi32, #tpu.memory_space<vmem>>
    %dma_start3A_34 = arith.constant 0 : i32
    %dma_start3A_35 = arith.constant 0 : i32
    %dma_start3A_36 = tpu.memref_slice %arg3[%dma_start3A_34, %dma_start3A_35] : memref<675x64xi32, #tpu.memory_space<hbm>> -> memref<675x64xi32, #tpu.memory_space<hbm>>
    tpu.enqueue_indirect_dma source(%dma_start3A_36 : memref<675x64xi32, #tpu.memory_space<hbm>>) target(%arg15 : memref<128x64xi32, #tpu.memory_space<vmem>>) offsets(%dma_start3A_33 : memref<128xi32, #tpu.memory_space<vmem>>) semaphore(%arg24 : memref<!tpu.dma_semaphore, #tpu.memory_space<semaphore_mem>>)
    %dma_start3A_37 = arith.constant 1 : i32
    %dma_start3A_38 = arith.constant 0 : i32
    %dma_start3A_39 = tpu.memref_slice %arg11[%dma_start3A_37, %dma_start3A_38] : memref<50x128xi32, #tpu.memory_space<vmem>> -> memref<1x128xi32, #tpu.memory_space<vmem>>
    %dma_start3A_40 = tpu.memref_squeeze %dma_start3A_39 : memref<1x128xi32, #tpu.memory_space<vmem>> -> memref<128xi32, #tpu.memory_space<vmem>>
    %dma_start3A_41 = arith.constant 0 : i32
    %dma_start3A_42 = arith.constant 0 : i32
    %dma_start3A_43 = tpu.memref_slice %arg4[%dma_start3A_41, %dma_start3A_42] : memref<200x64xi32, #tpu.memory_space<hbm>> -> memref<200x64xi32, #tpu.memory_space<hbm>>
    tpu.enqueue_indirect_dma source(%dma_start3A_43 : memref<200x64xi32, #tpu.memory_space<hbm>>) target(%arg17 : memref<128x64xi32, #tpu.memory_space<vmem>>) offsets(%dma_start3A_40 : memref<128xi32, #tpu.memory_space<vmem>>) semaphore(%arg25 : memref<!tpu.dma_semaphore, #tpu.memory_space<semaphore_mem>>)
    %scan3A = arith.constant 0 : i32
    %scan3A_44 = arith.constant 0 : i32
    %scan3A_45 = arith.constant 25 : i32
    %scan3A_46 = arith.addi %scan3A_44, %scan3A_45 : i32
    %scan3A_47 = arith.constant 1 : i32
    scf.for %scan3A_56 = %scan3A_44 to %scan3A_46 step %scan3A_47  : i32 {
      %mul3A_57 = arith.constant 2 : i32
      %mul3A_58 = arith.muli %mul3A_57, %scan3A_56 : i32
      %add3A_59 = arith.constant 0 : i32
      %add3A_60 = arith.addi %mul3A_58, %add3A_59 : i32
      %mul3A_61 = arith.constant 128 : i32
      %mul3A_62 = arith.muli %add3A_60, %mul3A_61 : i32
      %add3A_63 = arith.addi %mul3A_2, %mul3A_62 : i32
      %dma_wait3A_64 = arith.constant 0 : i32
      %dma_wait3A_65 = tpu.memref_slice %arg9[%add3A_60, %dma_wait3A_64] : memref<50x128xi32, #tpu.memory_space<vmem>> -> memref<1x128xi32, #tpu.memory_space<vmem>>
      %dma_wait3A_66 = tpu.memref_squeeze %dma_wait3A_65 : memref<1x128xi32, #tpu.memory_space<vmem>> -> memref<128xi32, #tpu.memory_space<vmem>>
      %dma_wait3A_67 = arith.constant 0 : i32
      %dma_wait3A_68 = arith.constant 0 : i32
      %dma_wait3A_69 = tpu.memref_slice %arg2[%dma_wait3A_67, %dma_wait3A_68] : memref<100000x128xf32, #tpu.memory_space<hbm>> -> memref<100000x128xf32, #tpu.memory_space<hbm>>
      tpu.wait_indirect_dma semaphore(%arg20 : memref<!tpu.dma_semaphore, #tpu.memory_space<semaphore_mem>>) src(%dma_wait3A_69 : memref<100000x128xf32, #tpu.memory_space<hbm>>) dst(%arg12 : memref<128x128xf32, #tpu.memory_space<vmem>>)
      %dma_wait3A_70 = arith.constant 0 : i32
      %dma_wait3A_71 = tpu.memref_slice %arg10[%add3A_60, %dma_wait3A_70] : memref<50x128xi32, #tpu.memory_space<vmem>> -> memref<1x128xi32, #tpu.memory_space<vmem>>
      %dma_wait3A_72 = tpu.memref_squeeze %dma_wait3A_71 : memref<1x128xi32, #tpu.memory_space<vmem>> -> memref<128xi32, #tpu.memory_space<vmem>>
      %dma_wait3A_73 = arith.constant 0 : i32
      %dma_wait3A_74 = arith.constant 0 : i32
      %dma_wait3A_75 = tpu.memref_slice %arg3[%dma_wait3A_73, %dma_wait3A_74] : memref<675x64xi32, #tpu.memory_space<hbm>> -> memref<675x64xi32, #tpu.memory_space<hbm>>
      tpu.wait_indirect_dma semaphore(%arg21 : memref<!tpu.dma_semaphore, #tpu.memory_space<semaphore_mem>>) src(%dma_wait3A_75 : memref<675x64xi32, #tpu.memory_space<hbm>>) dst(%arg14 : memref<128x64xi32, #tpu.memory_space<vmem>>)
      %dma_wait3A_76 = arith.constant 0 : i32
      %dma_wait3A_77 = tpu.memref_slice %arg11[%add3A_60, %dma_wait3A_76] : memref<50x128xi32, #tpu.memory_space<vmem>> -> memref<1x128xi32, #tpu.memory_space<vmem>>
      %dma_wait3A_78 = tpu.memref_squeeze %dma_wait3A_77 : memref<1x128xi32, #tpu.memory_space<vmem>> -> memref<128xi32, #tpu.memory_space<vmem>>
      %dma_wait3A_79 = arith.constant 0 : i32
      %dma_wait3A_80 = arith.constant 0 : i32
      %dma_wait3A_81 = tpu.memref_slice %arg4[%dma_wait3A_79, %dma_wait3A_80] : memref<200x64xi32, #tpu.memory_space<hbm>> -> memref<200x64xi32, #tpu.memory_space<hbm>>
      tpu.wait_indirect_dma semaphore(%arg22 : memref<!tpu.dma_semaphore, #tpu.memory_space<semaphore_mem>>) src(%dma_wait3A_81 : memref<200x64xi32, #tpu.memory_space<hbm>>) dst(%arg16 : memref<128x64xi32, #tpu.memory_space<vmem>>)
      %gt3A = arith.constant 0 : i32
      %gt3A_82 = arith.cmpi sgt, %scan3A_56, %gt3A : i32
      %convert_element_type3A = arith.extui %gt3A_82 : i1 to i32
      %cond3A = arith.constant 0 : i32
      %cond3A_83 = arith.cmpi ne, %convert_element_type3A, %cond3A : i32
      scf.if %cond3A_83 {
        %dma_wait3A_136 = arith.constant 0 : i32
        %dma_wait3A_137 = tpu.memref_slice %arg8[%add3A_63, %dma_wait3A_136] : memref<204800x128xf32, #tpu.memory_space<hbm>> -> memref<128x128xf32, #tpu.memory_space<hbm>>
        %dma_wait3A_138 = arith.constant 0 : i32
        %dma_wait3A_139 = tpu.memref_slice %arg8[%add3A_63, %dma_wait3A_138] : memref<204800x128xf32, #tpu.memory_space<hbm>> -> memref<128x128xf32, #tpu.memory_space<hbm>>
        tpu.wait_dma2 semaphore(%arg26 : memref<!tpu.dma_semaphore, #tpu.memory_space<semaphore_mem>>) src(%arg18 : memref<128x128xf32, #tpu.memory_space<vmem>>) dst(%dma_wait3A_139 : memref<128x128xf32, #tpu.memory_space<hbm>>)
      } else {
      }
      %parallel_loop3A = arith.constant 0 : i32
      %parallel_loop3A_84 = arith.constant 128 : i32
      %parallel_loop3A_85 = arith.constant 1 : i32
      scf.for %parallel_loop3A_136 = %parallel_loop3A to %parallel_loop3A_84 step %parallel_loop3A_85  : i32 {
        %parallel_loop3A_137 = arith.index_cast %parallel_loop3A_136 : i32 to index
        %parallel_loop3A_138 = arith.constant 0 : index
        %parallel_loop3A_139 = tpu.vector_load %arg14[%parallel_loop3A_137, %parallel_loop3A_138] {strides = array<i32>} : memref<128x64xi32, #tpu.memory_space<vmem>>, vector<16xi32>,
        %parallel_loop3A_140 = vector.bitcast %parallel_loop3A_139 : vector<16xi32> to vector<32xbf16>
        %parallel_loop3A_141 = tpu.unpack_subelements %parallel_loop3A_140, 0 {pack_format = #tpu.pack_format<interleaved>} : vector<32xbf16> -> vector<16xf32>
        %parallel_loop3A_142 = tpu.unpack_subelements %parallel_loop3A_140, 1 {pack_format = #tpu.pack_format<interleaved>} : vector<32xbf16> -> vector<16xf32>
        %parallel_loop3A_143 = arith.index_cast %parallel_loop3A_136 : i32 to index
        %parallel_loop3A_144 = arith.constant 0 : index
        %parallel_loop3A_145 = tpu.vector_load %arg16[%parallel_loop3A_143, %parallel_loop3A_144] {strides = array<i32>} : memref<128x64xi32, #tpu.memory_space<vmem>>, vector<16xi32>,
        %parallel_loop3A_146 = vector.bitcast %parallel_loop3A_145 : vector<16xi32> to vector<32xbf16>
        %parallel_loop3A_147 = tpu.unpack_subelements %parallel_loop3A_146, 0 {pack_format = #tpu.pack_format<interleaved>} : vector<32xbf16> -> vector<16xf32>
        %parallel_loop3A_148 = tpu.unpack_subelements %parallel_loop3A_146, 1 {pack_format = #tpu.pack_format<interleaved>} : vector<32xbf16> -> vector<16xf32>
        %parallel_loop3A_149 = arith.index_cast %parallel_loop3A_136 : i32 to index
        %parallel_loop3A_150 = arith.constant 0 : index
        %parallel_loop3A_151 = tpu.vector_load %arg12[%parallel_loop3A_149, %parallel_loop3A_150] {strides = array<i32>} : memref<128x128xf32, #tpu.memory_space<vmem>>, vector<16xf32>,
        %parallel_loop3A_152 = arith.addf %parallel_loop3A_151, %parallel_loop3A_141 : vector<16xf32>
        %parallel_loop3A_153 = arith.addf %parallel_loop3A_152, %parallel_loop3A_147 : vector<16xf32>
        %parallel_loop3A_154 = arith.index_cast %parallel_loop3A_136 : i32 to index
        %parallel_loop3A_155 = arith.constant 0 : index
        %parallel_loop3A_156 = tpu.vector_load %arg18[%parallel_loop3A_154, %parallel_loop3A_155] {strides = array<i32>} : memref<128x128xf32, #tpu.memory_space<vmem>>, vector<16xf32>,
        tpu.vector_store %arg18[%parallel_loop3A_154, %parallel_loop3A_155], %parallel_loop3A_153 {strides = array<i32>} : memref<128x128xf32, #tpu.memory_space<vmem>>, vector<16xf32>,
        %parallel_loop3A_157 = arith.index_cast %parallel_loop3A_136 : i32 to index
        %parallel_loop3A_158 = arith.constant 64 : index
        %parallel_loop3A_159 = tpu.vector_load %arg12[%parallel_loop3A_157, %parallel_loop3A_158] {strides = array<i32>} : memref<128x128xf32, #tpu.memory_space<vmem>>, vector<16xf32>,
        %parallel_loop3A_160 = arith.addf %parallel_loop3A_159, %parallel_loop3A_142 : vector<16xf32>
        %parallel_loop3A_161 = arith.addf %parallel_loop3A_160, %parallel_loop3A_148 : vector<16xf32>
        %parallel_loop3A_162 = arith.index_cast %parallel_loop3A_136 : i32 to index
        %parallel_loop3A_163 = arith.constant 64 : index
        %parallel_loop3A_164 = tpu.vector_load %arg18[%parallel_loop3A_162, %parallel_loop3A_163] {strides = array<i32>} : memref<128x128xf32, #tpu.memory_space<vmem>>, vector<16xf32>,
        tpu.vector_store %arg18[%parallel_loop3A_162, %parallel_loop3A_163], %parallel_loop3A_161 {strides = array<i32>} : memref<128x128xf32, #tpu.memory_space<vmem>>, vector<16xf32>,
        %parallel_loop3A_165 = arith.index_cast %parallel_loop3A_136 : i32 to index
        %parallel_loop3A_166 = arith.constant 16 : index
        %parallel_loop3A_167 = tpu.vector_load %arg14[%parallel_loop3A_165, %parallel_loop3A_166] {strides = array<i32>} : memref<128x64xi32, #tpu.memory_space<vmem>>, vector<16xi32>,
        %parallel_loop3A_168 = vector.bitcast %parallel_loop3A_167 : vector<16xi32> to vector<32xbf16>
        %parallel_loop3A_169 = tpu.unpack_subelements %parallel_loop3A_168, 0 {pack_format = #tpu.pack_format<interleaved>} : vector<32xbf16> -> vector<16xf32>
        %parallel_loop3A_170 = tpu.unpack_subelements %parallel_loop3A_168, 1 {pack_format = #tpu.pack_format<interleaved>} : vector<32xbf16> -> vector<16xf32>
        %parallel_loop3A_171 = arith.index_cast %parallel_loop3A_136 : i32 to index
        %parallel_loop3A_172 = arith.constant 16 : index
        %parallel_loop3A_173 = tpu.vector_load %arg16[%parallel_loop3A_171, %parallel_loop3A_172] {strides = array<i32>} : memref<128x64xi32, #tpu.memory_space<vmem>>, vector<16xi32>,
        %parallel_loop3A_174 = vector.bitcast %parallel_loop3A_173 : vector<16xi32> to vector<32xbf16>
        %parallel_loop3A_175 = tpu.unpack_subelements %parallel_loop3A_174, 0 {pack_format = #tpu.pack_format<interleaved>} : vector<32xbf16> -> vector<16xf32>
        %parallel_loop3A_176 = tpu.unpack_subelements %parallel_loop3A_174, 1 {pack_format = #tpu.pack_format<interleaved>} : vector<32xbf16> -> vector<16xf32>
        %parallel_loop3A_177 = arith.index_cast %parallel_loop3A_136 : i32 to index
        %parallel_loop3A_178 = arith.constant 16 : index
        %parallel_loop3A_179 = tpu.vector_load %arg12[%parallel_loop3A_177, %parallel_loop3A_178] {strides = array<i32>} : memref<128x128xf32, #tpu.memory_space<vmem>>, vector<16xf32>,
        %parallel_loop3A_180 = arith.addf %parallel_loop3A_179, %parallel_loop3A_169 : vector<16xf32>
        %parallel_loop3A_181 = arith.addf %parallel_loop3A_180, %parallel_loop3A_175 : vector<16xf32>
        %parallel_loop3A_182 = arith.index_cast %parallel_loop3A_136 : i32 to index
        %parallel_loop3A_183 = arith.constant 16 : index
        %parallel_loop3A_184 = tpu.vector_load %arg18[%parallel_loop3A_182, %parallel_loop3A_183] {strides = array<i32>} : memref<128x128xf32, #tpu.memory_space<vmem>>, vector<16xf32>,
        tpu.vector_store %arg18[%parallel_loop3A_182, %parallel_loop3A_183], %parallel_loop3A_181 {strides = array<i32>} : memref<128x128xf32, #tpu.memory_space<vmem>>, vector<16xf32>,
        %parallel_loop3A_185 = arith.index_cast %parallel_loop3A_136 : i32 to index
        %parallel_loop3A_186 = arith.constant 80 : index
        %parallel_loop3A_187 = tpu.vector_load %arg12[%parallel_loop3A_185, %parallel_loop3A_186] {strides = array<i32>} : memref<128x128xf32, #tpu.memory_space<vmem>>, vector<16xf32>,
        %parallel_loop3A_188 = arith.addf %parallel_loop3A_187, %parallel_loop3A_170 : vector<16xf32>
        %parallel_loop3A_189 = arith.addf %parallel_loop3A_188, %parallel_loop3A_176 : vector<16xf32>
        %parallel_loop3A_190 = arith.index_cast %parallel_loop3A_136 : i32 to index
        %parallel_loop3A_191 = arith.constant 80 : index
        %parallel_loop3A_192 = tpu.vector_load %arg18[%parallel_loop3A_190, %parallel_loop3A_191] {strides = array<i32>} : memref<128x128xf32, #tpu.memory_space<vmem>>, vector<16xf32>,
        tpu.vector_store %arg18[%parallel_loop3A_190, %parallel_loop3A_191], %parallel_loop3A_189 {strides = array<i32>} : memref<128x128xf32, #tpu.memory_space<vmem>>, vector<16xf32>,
        %parallel_loop3A_193 = arith.index_cast %parallel_loop3A_136 : i32 to index
        %parallel_loop3A_194 = arith.constant 32 : index
        %parallel_loop3A_195 = tpu.vector_load %arg14[%parallel_loop3A_193, %parallel_loop3A_194] {strides = array<i32>} : memref<128x64xi32, #tpu.memory_space<vmem>>, vector<16xi32>,
        %parallel_loop3A_196 = vector.bitcast %parallel_loop3A_195 : vector<16xi32> to vector<32xbf16>
        %parallel_loop3A_197 = tpu.unpack_subelements %parallel_loop3A_196, 0 {pack_format = #tpu.pack_format<interleaved>} : vector<32xbf16> -> vector<16xf32>
        %parallel_loop3A_198 = tpu.unpack_subelements %parallel_loop3A_196, 1 {pack_format = #tpu.pack_format<interleaved>} : vector<32xbf16> -> vector<16xf32>
        %parallel_loop3A_199 = arith.index_cast %parallel_loop3A_136 : i32 to index
        %parallel_loop3A_200 = arith.constant 32 : index
        %parallel_loop3A_201 = tpu.vector_load %arg16[%parallel_loop3A_199, %parallel_loop3A_200] {strides = array<i32>} : memref<128x64xi32, #tpu.memory_space<vmem>>, vector<16xi32>,
        %parallel_loop3A_202 = vector.bitcast %parallel_loop3A_201 : vector<16xi32> to vector<32xbf16>
        %parallel_loop3A_203 = tpu.unpack_subelements %parallel_loop3A_202, 0 {pack_format = #tpu.pack_format<interleaved>} : vector<32xbf16> -> vector<16xf32>
        %parallel_loop3A_204 = tpu.unpack_subelements %parallel_loop3A_202, 1 {pack_format = #tpu.pack_format<interleaved>} : vector<32xbf16> -> vector<16xf32>
        %parallel_loop3A_205 = arith.index_cast %parallel_loop3A_136 : i32 to index
        %parallel_loop3A_206 = arith.constant 32 : index
        %parallel_loop3A_207 = tpu.vector_load %arg12[%parallel_loop3A_205, %parallel_loop3A_206] {strides = array<i32>} : memref<128x128xf32, #tpu.memory_space<vmem>>, vector<16xf32>,
        %parallel_loop3A_208 = arith.addf %parallel_loop3A_207, %parallel_loop3A_197 : vector<16xf32>
        %parallel_loop3A_209 = arith.addf %parallel_loop3A_208, %parallel_loop3A_203 : vector<16xf32>
        %parallel_loop3A_210 = arith.index_cast %parallel_loop3A_136 : i32 to index
        %parallel_loop3A_211 = arith.constant 32 : index
        %parallel_loop3A_212 = tpu.vector_load %arg18[%parallel_loop3A_210, %parallel_loop3A_211] {strides = array<i32>} : memref<128x128xf32, #tpu.memory_space<vmem>>, vector<16xf32>,
        tpu.vector_store %arg18[%parallel_loop3A_210, %parallel_loop3A_211], %parallel_loop3A_209 {strides = array<i32>} : memref<128x128xf32, #tpu.memory_space<vmem>>, vector<16xf32>,
        %parallel_loop3A_213 = arith.index_cast %parallel_loop3A_136 : i32 to index
        %parallel_loop3A_214 = arith.constant 96 : index
        %parallel_loop3A_215 = tpu.vector_load %arg12[%parallel_loop3A_213, %parallel_loop3A_214] {strides = array<i32>} : memref<128x128xf32, #tpu.memory_space<vmem>>, vector<16xf32>,
        %parallel_loop3A_216 = arith.addf %parallel_loop3A_215, %parallel_loop3A_198 : vector<16xf32>
        %parallel_loop3A_217 = arith.addf %parallel_loop3A_216, %parallel_loop3A_204 : vector<16xf32>
        %parallel_loop3A_218 = arith.index_cast %parallel_loop3A_136 : i32 to index
        %parallel_loop3A_219 = arith.constant 96 : index
        %parallel_loop3A_220 = tpu.vector_load %arg18[%parallel_loop3A_218, %parallel_loop3A_219] {strides = array<i32>} : memref<128x128xf32, #tpu.memory_space<vmem>>, vector<16xf32>,
        tpu.vector_store %arg18[%parallel_loop3A_218, %parallel_loop3A_219], %parallel_loop3A_217 {strides = array<i32>} : memref<128x128xf32, #tpu.memory_space<vmem>>, vector<16xf32>,
        %parallel_loop3A_221 = arith.index_cast %parallel_loop3A_136 : i32 to index
        %parallel_loop3A_222 = arith.constant 48 : index
        %parallel_loop3A_223 = tpu.vector_load %arg14[%parallel_loop3A_221, %parallel_loop3A_222] {strides = array<i32>} : memref<128x64xi32, #tpu.memory_space<vmem>>, vector<16xi32>,
        %parallel_loop3A_224 = vector.bitcast %parallel_loop3A_223 : vector<16xi32> to vector<32xbf16>
        %parallel_loop3A_225 = tpu.unpack_subelements %parallel_loop3A_224, 0 {pack_format = #tpu.pack_format<interleaved>} : vector<32xbf16> -> vector<16xf32>
        %parallel_loop3A_226 = tpu.unpack_subelements %parallel_loop3A_224, 1 {pack_format = #tpu.pack_format<interleaved>} : vector<32xbf16> -> vector<16xf32>
        %parallel_loop3A_227 = arith.index_cast %parallel_loop3A_136 : i32 to index
        %parallel_loop3A_228 = arith.constant 48 : index
        %parallel_loop3A_229 = tpu.vector_load %arg16[%parallel_loop3A_227, %parallel_loop3A_228] {strides = array<i32>} : memref<128x64xi32, #tpu.memory_space<vmem>>, vector<16xi32>,
        %parallel_loop3A_230 = vector.bitcast %parallel_loop3A_229 : vector<16xi32> to vector<32xbf16>
        %parallel_loop3A_231 = tpu.unpack_subelements %parallel_loop3A_230, 0 {pack_format = #tpu.pack_format<interleaved>} : vector<32xbf16> -> vector<16xf32>
        %parallel_loop3A_232 = tpu.unpack_subelements %parallel_loop3A_230, 1 {pack_format = #tpu.pack_format<interleaved>} : vector<32xbf16> -> vector<16xf32>
        %parallel_loop3A_233 = arith.index_cast %parallel_loop3A_136 : i32 to index
        %parallel_loop3A_234 = arith.constant 48 : index
        %parallel_loop3A_235 = tpu.vector_load %arg12[%parallel_loop3A_233, %parallel_loop3A_234] {strides = array<i32>} : memref<128x128xf32, #tpu.memory_space<vmem>>, vector<16xf32>,
        %parallel_loop3A_236 = arith.addf %parallel_loop3A_235, %parallel_loop3A_225 : vector<16xf32>
        %parallel_loop3A_237 = arith.addf %parallel_loop3A_236, %parallel_loop3A_231 : vector<16xf32>
        %parallel_loop3A_238 = arith.index_cast %parallel_loop3A_136 : i32 to index
        %parallel_loop3A_239 = arith.constant 48 : index
        %parallel_loop3A_240 = tpu.vector_load %arg18[%parallel_loop3A_238, %parallel_loop3A_239] {strides = array<i32>} : memref<128x128xf32, #tpu.memory_space<vmem>>, vector<16xf32>,
        tpu.vector_store %arg18[%parallel_loop3A_238, %parallel_loop3A_239], %parallel_loop3A_237 {strides = array<i32>} : memref<128x128xf32, #tpu.memory_space<vmem>>, vector<16xf32>,
        %parallel_loop3A_241 = arith.index_cast %parallel_loop3A_136 : i32 to index
        %parallel_loop3A_242 = arith.constant 112 : index
        %parallel_loop3A_243 = tpu.vector_load %arg12[%parallel_loop3A_241, %parallel_loop3A_242] {strides = array<i32>} : memref<128x128xf32, #tpu.memory_space<vmem>>, vector<16xf32>,
        %parallel_loop3A_244 = arith.addf %parallel_loop3A_243, %parallel_loop3A_226 : vector<16xf32>
        %parallel_loop3A_245 = arith.addf %parallel_loop3A_244, %parallel_loop3A_232 : vector<16xf32>
        %parallel_loop3A_246 = arith.index_cast %parallel_loop3A_136 : i32 to index
        %parallel_loop3A_247 = arith.constant 112 : index
        %parallel_loop3A_248 = tpu.vector_load %arg18[%parallel_loop3A_246, %parallel_loop3A_247] {strides = array<i32>} : memref<128x128xf32, #tpu.memory_space<vmem>>, vector<16xf32>,
        tpu.vector_store %arg18[%parallel_loop3A_246, %parallel_loop3A_247], %parallel_loop3A_245 {strides = array<i32>} : memref<128x128xf32, #tpu.memory_space<vmem>>, vector<16xf32>,
      } {sc.loop_unroll_factor = 4 : i64, sc.parallel_access}
      %dma_start3A_86 = arith.constant 0 : i32
      %dma_start3A_87 = tpu.memref_slice %arg8[%add3A_63, %dma_start3A_86] : memref<204800x128xf32, #tpu.memory_space<hbm>> -> memref<128x128xf32, #tpu.memory_space<hbm>>
      %dma_start3A_88 = arith.constant 0 : i32
      %dma_start3A_89 = tpu.memref_slice %arg8[%add3A_63, %dma_start3A_88] : memref<204800x128xf32, #tpu.memory_space<hbm>> -> memref<128x128xf32, #tpu.memory_space<hbm>>
      tpu.enqueue_dma source(%arg18 : memref<128x128xf32, #tpu.memory_space<vmem>>) target(%dma_start3A_89 : memref<128x128xf32, #tpu.memory_space<hbm>>) target_semaphore(%arg26 : memref<!tpu.dma_semaphore, #tpu.memory_space<semaphore_mem>>)
      %lt3A = arith.constant 24 : i32
      %lt3A_90 = arith.cmpi slt, %scan3A_56, %lt3A : i32
      %convert_element_type3A_91 = arith.extui %lt3A_90 : i1 to i32
      %cond3A_92 = arith.constant 0 : i32
      %cond3A_93 = arith.cmpi ne, %convert_element_type3A_91, %cond3A_92 : i32
      scf.if %cond3A_93 {
        %add3A_136 = arith.constant 2 : i32
        %add3A_137 = arith.addi %add3A_60, %add3A_136 : i32
        %dma_start3A_138 = arith.constant 0 : i32
        %dma_start3A_139 = tpu.memref_slice %arg9[%add3A_137, %dma_start3A_138] : memref<50x128xi32, #tpu.memory_space<vmem>> -> memref<1x128xi32, #tpu.memory_space<vmem>>
        %dma_start3A_140 = tpu.memref_squeeze %dma_start3A_139 : memref<1x128xi32, #tpu.memory_space<vmem>> -> memref<128xi32, #tpu.memory_space<vmem>>
        %dma_start3A_141 = arith.constant 0 : i32
        %dma_start3A_142 = arith.constant 0 : i32
        %dma_start3A_143 = tpu.memref_slice %arg2[%dma_start3A_141, %dma_start3A_142] : memref<100000x128xf32, #tpu.memory_space<hbm>> -> memref<100000x128xf32, #tpu.memory_space<hbm>>
        tpu.enqueue_indirect_dma source(%dma_start3A_143 : memref<100000x128xf32, #tpu.memory_space<hbm>>) target(%arg12 : memref<128x128xf32, #tpu.memory_space<vmem>>) offsets(%dma_start3A_140 : memref<128xi32, #tpu.memory_space<vmem>>) semaphore(%arg20 : memref<!tpu.dma_semaphore, #tpu.memory_space<semaphore_mem>>)
        %dma_start3A_144 = arith.constant 0 : i32
        %dma_start3A_145 = tpu.memref_slice %arg10[%add3A_137, %dma_start3A_144] : memref<50x128xi32, #tpu.memory_space<vmem>> -> memref<1x128xi32, #tpu.memory_space<vmem>>
        %dma_start3A_146 = tpu.memref_squeeze %dma_start3A_145 : memref<1x128xi32, #tpu.memory_space<vmem>> -> memref<128xi32, #tpu.memory_space<vmem>>
        %dma_start3A_147 = arith.constant 0 : i32
        %dma_start3A_148 = arith.constant 0 : i32
        %dma_start3A_149 = tpu.memref_slice %arg3[%dma_start3A_147, %dma_start3A_148] : memref<675x64xi32, #tpu.memory_space<hbm>> -> memref<675x64xi32, #tpu.memory_space<hbm>>
        tpu.enqueue_indirect_dma source(%dma_start3A_149 : memref<675x64xi32, #tpu.memory_space<hbm>>) target(%arg14 : memref<128x64xi32, #tpu.memory_space<vmem>>) offsets(%dma_start3A_146 : memref<128xi32, #tpu.memory_space<vmem>>) semaphore(%arg21 : memref<!tpu.dma_semaphore, #tpu.memory_space<semaphore_mem>>)
        %dma_start3A_150 = arith.constant 0 : i32
        %dma_start3A_151 = tpu.memref_slice %arg11[%add3A_137, %dma_start3A_150] : memref<50x128xi32, #tpu.memory_space<vmem>> -> memref<1x128xi32, #tpu.memory_space<vmem>>
        %dma_start3A_152 = tpu.memref_squeeze %dma_start3A_151 : memref<1x128xi32, #tpu.memory_space<vmem>> -> memref<128xi32, #tpu.memory_space<vmem>>
        %dma_start3A_153 = arith.constant 0 : i32
        %dma_start3A_154 = arith.constant 0 : i32
        %dma_start3A_155 = tpu.memref_slice %arg4[%dma_start3A_153, %dma_start3A_154] : memref<200x64xi32, #tpu.memory_space<hbm>> -> memref<200x64xi32, #tpu.memory_space<hbm>>
        tpu.enqueue_indirect_dma source(%dma_start3A_155 : memref<200x64xi32, #tpu.memory_space<hbm>>) target(%arg16 : memref<128x64xi32, #tpu.memory_space<vmem>>) offsets(%dma_start3A_152 : memref<128xi32, #tpu.memory_space<vmem>>) semaphore(%arg22 : memref<!tpu.dma_semaphore, #tpu.memory_space<semaphore_mem>>)
      } else {
      }
      %mul3A_94 = arith.constant 2 : i32
      %mul3A_95 = arith.muli %mul3A_94, %scan3A_56 : i32
      %add3A_96 = arith.constant 1 : i32
      %add3A_97 = arith.addi %mul3A_95, %add3A_96 : i32
      %mul3A_98 = arith.constant 128 : i32
      %mul3A_99 = arith.muli %add3A_97, %mul3A_98 : i32
      %add3A_100 = arith.addi %mul3A_2, %mul3A_99 : i32
      %dma_wait3A_101 = arith.constant 0 : i32
      %dma_wait3A_102 = tpu.memref_slice %arg9[%add3A_97, %dma_wait3A_101] : memref<50x128xi32, #tpu.memory_space<vmem>> -> memref<1x128xi32, #tpu.memory_space<vmem>>
      %dma_wait3A_103 = tpu.memref_squeeze %dma_wait3A_102 : memref<1x128xi32, #tpu.memory_space<vmem>> -> memref<128xi32, #tpu.memory_space<vmem>>
      %dma_wait3A_104 = arith.constant 0 : i32
      %dma_wait3A_105 = arith.constant 0 : i32
      %dma_wait3A_106 = tpu.memref_slice %arg2[%dma_wait3A_104, %dma_wait3A_105] : memref<100000x128xf32, #tpu.memory_space<hbm>> -> memref<100000x128xf32, #tpu.memory_space<hbm>>
      tpu.wait_indirect_dma semaphore(%arg23 : memref<!tpu.dma_semaphore, #tpu.memory_space<semaphore_mem>>) src(%dma_wait3A_106 : memref<100000x128xf32, #tpu.memory_space<hbm>>) dst(%arg13 : memref<128x128xf32, #tpu.memory_space<vmem>>)
      %dma_wait3A_107 = arith.constant 0 : i32
      %dma_wait3A_108 = tpu.memref_slice %arg10[%add3A_97, %dma_wait3A_107] : memref<50x128xi32, #tpu.memory_space<vmem>> -> memref<1x128xi32, #tpu.memory_space<vmem>>
      %dma_wait3A_109 = tpu.memref_squeeze %dma_wait3A_108 : memref<1x128xi32, #tpu.memory_space<vmem>> -> memref<128xi32, #tpu.memory_space<vmem>>
      %dma_wait3A_110 = arith.constant 0 : i32
      %dma_wait3A_111 = arith.constant 0 : i32
      %dma_wait3A_112 = tpu.memref_slice %arg3[%dma_wait3A_110, %dma_wait3A_111] : memref<675x64xi32, #tpu.memory_space<hbm>> -> memref<675x64xi32, #tpu.memory_space<hbm>>
      tpu.wait_indirect_dma semaphore(%arg24 : memref<!tpu.dma_semaphore, #tpu.memory_space<semaphore_mem>>) src(%dma_wait3A_112 : memref<675x64xi32, #tpu.memory_space<hbm>>) dst(%arg15 : memref<128x64xi32, #tpu.memory_space<vmem>>)
      %dma_wait3A_113 = arith.constant 0 : i32
      %dma_wait3A_114 = tpu.memref_slice %arg11[%add3A_97, %dma_wait3A_113] : memref<50x128xi32, #tpu.memory_space<vmem>> -> memref<1x128xi32, #tpu.memory_space<vmem>>
      %dma_wait3A_115 = tpu.memref_squeeze %dma_wait3A_114 : memref<1x128xi32, #tpu.memory_space<vmem>> -> memref<128xi32, #tpu.memory_space<vmem>>
      %dma_wait3A_116 = arith.constant 0 : i32
      %dma_wait3A_117 = arith.constant 0 : i32
      %dma_wait3A_118 = tpu.memref_slice %arg4[%dma_wait3A_116, %dma_wait3A_117] : memref<200x64xi32, #tpu.memory_space<hbm>> -> memref<200x64xi32, #tpu.memory_space<hbm>>
      tpu.wait_indirect_dma semaphore(%arg25 : memref<!tpu.dma_semaphore, #tpu.memory_space<semaphore_mem>>) src(%dma_wait3A_118 : memref<200x64xi32, #tpu.memory_space<hbm>>) dst(%arg17 : memref<128x64xi32, #tpu.memory_space<vmem>>)
      %gt3A_119 = arith.constant 0 : i32
      %gt3A_120 = arith.cmpi sgt, %scan3A_56, %gt3A_119 : i32
      %convert_element_type3A_121 = arith.extui %gt3A_120 : i1 to i32
      %cond3A_122 = arith.constant 0 : i32
      %cond3A_123 = arith.cmpi ne, %convert_element_type3A_121, %cond3A_122 : i32
      scf.if %cond3A_123 {
        %dma_wait3A_136 = arith.constant 0 : i32
        %dma_wait3A_137 = tpu.memref_slice %arg8[%add3A_100, %dma_wait3A_136] : memref<204800x128xf32, #tpu.memory_space<hbm>> -> memref<128x128xf32, #tpu.memory_space<hbm>>
        %dma_wait3A_138 = arith.constant 0 : i32
        %dma_wait3A_139 = tpu.memref_slice %arg8[%add3A_100, %dma_wait3A_138] : memref<204800x128xf32, #tpu.memory_space<hbm>> -> memref<128x128xf32, #tpu.memory_space<hbm>>
        tpu.wait_dma2 semaphore(%arg27 : memref<!tpu.dma_semaphore, #tpu.memory_space<semaphore_mem>>) src(%arg19 : memref<128x128xf32, #tpu.memory_space<vmem>>) dst(%dma_wait3A_139 : memref<128x128xf32, #tpu.memory_space<hbm>>)
      } else {
      }
      %parallel_loop3A_124 = arith.constant 0 : i32
      %parallel_loop3A_125 = arith.constant 128 : i32
      %parallel_loop3A_126 = arith.constant 1 : i32
      scf.for %parallel_loop3A_136 = %parallel_loop3A_124 to %parallel_loop3A_125 step %parallel_loop3A_126  : i32 {
        %parallel_loop3A_137 = arith.index_cast %parallel_loop3A_136 : i32 to index
        %parallel_loop3A_138 = arith.constant 0 : index
        %parallel_loop3A_139 = tpu.vector_load %arg15[%parallel_loop3A_137, %parallel_loop3A_138] {strides = array<i32>} : memref<128x64xi32, #tpu.memory_space<vmem>>, vector<16xi32>,
        %parallel_loop3A_140 = vector.bitcast %parallel_loop3A_139 : vector<16xi32> to vector<32xbf16>
        %parallel_loop3A_141 = tpu.unpack_subelements %parallel_loop3A_140, 0 {pack_format = #tpu.pack_format<interleaved>} : vector<32xbf16> -> vector<16xf32>
        %parallel_loop3A_142 = tpu.unpack_subelements %parallel_loop3A_140, 1 {pack_format = #tpu.pack_format<interleaved>} : vector<32xbf16> -> vector<16xf32>
        %parallel_loop3A_143 = arith.index_cast %parallel_loop3A_136 : i32 to index
        %parallel_loop3A_144 = arith.constant 0 : index
        %parallel_loop3A_145 = tpu.vector_load %arg17[%parallel_loop3A_143, %parallel_loop3A_144] {strides = array<i32>} : memref<128x64xi32, #tpu.memory_space<vmem>>, vector<16xi32>,
        %parallel_loop3A_146 = vector.bitcast %parallel_loop3A_145 : vector<16xi32> to vector<32xbf16>
        %parallel_loop3A_147 = tpu.unpack_subelements %parallel_loop3A_146, 0 {pack_format = #tpu.pack_format<interleaved>} : vector<32xbf16> -> vector<16xf32>
        %parallel_loop3A_148 = tpu.unpack_subelements %parallel_loop3A_146, 1 {pack_format = #tpu.pack_format<interleaved>} : vector<32xbf16> -> vector<16xf32>
        %parallel_loop3A_149 = arith.index_cast %parallel_loop3A_136 : i32 to index
        %parallel_loop3A_150 = arith.constant 0 : index
        %parallel_loop3A_151 = tpu.vector_load %arg13[%parallel_loop3A_149, %parallel_loop3A_150] {strides = array<i32>} : memref<128x128xf32, #tpu.memory_space<vmem>>, vector<16xf32>,
        %parallel_loop3A_152 = arith.addf %parallel_loop3A_151, %parallel_loop3A_141 : vector<16xf32>
        %parallel_loop3A_153 = arith.addf %parallel_loop3A_152, %parallel_loop3A_147 : vector<16xf32>
        %parallel_loop3A_154 = arith.index_cast %parallel_loop3A_136 : i32 to index
        %parallel_loop3A_155 = arith.constant 0 : index
        %parallel_loop3A_156 = tpu.vector_load %arg19[%parallel_loop3A_154, %parallel_loop3A_155] {strides = array<i32>} : memref<128x128xf32, #tpu.memory_space<vmem>>, vector<16xf32>,
        tpu.vector_store %arg19[%parallel_loop3A_154, %parallel_loop3A_155], %parallel_loop3A_153 {strides = array<i32>} : memref<128x128xf32, #tpu.memory_space<vmem>>, vector<16xf32>,
        %parallel_loop3A_157 = arith.index_cast %parallel_loop3A_136 : i32 to index
        %parallel_loop3A_158 = arith.constant 64 : index
        %parallel_loop3A_159 = tpu.vector_load %arg13[%parallel_loop3A_157, %parallel_loop3A_158] {strides = array<i32>} : memref<128x128xf32, #tpu.memory_space<vmem>>, vector<16xf32>,
        %parallel_loop3A_160 = arith.addf %parallel_loop3A_159, %parallel_loop3A_142 : vector<16xf32>
        %parallel_loop3A_161 = arith.addf %parallel_loop3A_160, %parallel_loop3A_148 : vector<16xf32>
        %parallel_loop3A_162 = arith.index_cast %parallel_loop3A_136 : i32 to index
        %parallel_loop3A_163 = arith.constant 64 : index
        %parallel_loop3A_164 = tpu.vector_load %arg19[%parallel_loop3A_162, %parallel_loop3A_163] {strides = array<i32>} : memref<128x128xf32, #tpu.memory_space<vmem>>, vector<16xf32>,
        tpu.vector_store %arg19[%parallel_loop3A_162, %parallel_loop3A_163], %parallel_loop3A_161 {strides = array<i32>} : memref<128x128xf32, #tpu.memory_space<vmem>>, vector<16xf32>,
        %parallel_loop3A_165 = arith.index_cast %parallel_loop3A_136 : i32 to index
        %parallel_loop3A_166 = arith.constant 16 : index
        %parallel_loop3A_167 = tpu.vector_load %arg15[%parallel_loop3A_165, %parallel_loop3A_166] {strides = array<i32>} : memref<128x64xi32, #tpu.memory_space<vmem>>, vector<16xi32>,
        %parallel_loop3A_168 = vector.bitcast %parallel_loop3A_167 : vector<16xi32> to vector<32xbf16>
        %parallel_loop3A_169 = tpu.unpack_subelements %parallel_loop3A_168, 0 {pack_format = #tpu.pack_format<interleaved>} : vector<32xbf16> -> vector<16xf32>
        %parallel_loop3A_170 = tpu.unpack_subelements %parallel_loop3A_168, 1 {pack_format = #tpu.pack_format<interleaved>} : vector<32xbf16> -> vector<16xf32>
        %parallel_loop3A_171 = arith.index_cast %parallel_loop3A_136 : i32 to index
        %parallel_loop3A_172 = arith.constant 16 : index
        %parallel_loop3A_173 = tpu.vector_load %arg17[%parallel_loop3A_171, %parallel_loop3A_172] {strides = array<i32>} : memref<128x64xi32, #tpu.memory_space<vmem>>, vector<16xi32>,
        %parallel_loop3A_174 = vector.bitcast %parallel_loop3A_173 : vector<16xi32> to vector<32xbf16>
        %parallel_loop3A_175 = tpu.unpack_subelements %parallel_loop3A_174, 0 {pack_format = #tpu.pack_format<interleaved>} : vector<32xbf16> -> vector<16xf32>
        %parallel_loop3A_176 = tpu.unpack_subelements %parallel_loop3A_174, 1 {pack_format = #tpu.pack_format<interleaved>} : vector<32xbf16> -> vector<16xf32>
        %parallel_loop3A_177 = arith.index_cast %parallel_loop3A_136 : i32 to index
        %parallel_loop3A_178 = arith.constant 16 : index
        %parallel_loop3A_179 = tpu.vector_load %arg13[%parallel_loop3A_177, %parallel_loop3A_178] {strides = array<i32>} : memref<128x128xf32, #tpu.memory_space<vmem>>, vector<16xf32>,
        %parallel_loop3A_180 = arith.addf %parallel_loop3A_179, %parallel_loop3A_169 : vector<16xf32>
        %parallel_loop3A_181 = arith.addf %parallel_loop3A_180, %parallel_loop3A_175 : vector<16xf32>
        %parallel_loop3A_182 = arith.index_cast %parallel_loop3A_136 : i32 to index
        %parallel_loop3A_183 = arith.constant 16 : index
        %parallel_loop3A_184 = tpu.vector_load %arg19[%parallel_loop3A_182, %parallel_loop3A_183] {strides = array<i32>} : memref<128x128xf32, #tpu.memory_space<vmem>>, vector<16xf32>,
        tpu.vector_store %arg19[%parallel_loop3A_182, %parallel_loop3A_183], %parallel_loop3A_181 {strides = array<i32>} : memref<128x128xf32, #tpu.memory_space<vmem>>, vector<16xf32>,
        %parallel_loop3A_185 = arith.index_cast %parallel_loop3A_136 : i32 to index
        %parallel_loop3A_186 = arith.constant 80 : index
        %parallel_loop3A_187 = tpu.vector_load %arg13[%parallel_loop3A_185, %parallel_loop3A_186] {strides = array<i32>} : memref<128x128xf32, #tpu.memory_space<vmem>>, vector<16xf32>,
        %parallel_loop3A_188 = arith.addf %parallel_loop3A_187, %parallel_loop3A_170 : vector<16xf32>
        %parallel_loop3A_189 = arith.addf %parallel_loop3A_188, %parallel_loop3A_176 : vector<16xf32>
        %parallel_loop3A_190 = arith.index_cast %parallel_loop3A_136 : i32 to index
        %parallel_loop3A_191 = arith.constant 80 : index
        %parallel_loop3A_192 = tpu.vector_load %arg19[%parallel_loop3A_190, %parallel_loop3A_191] {strides = array<i32>} : memref<128x128xf32, #tpu.memory_space<vmem>>, vector<16xf32>,
        tpu.vector_store %arg19[%parallel_loop3A_190, %parallel_loop3A_191], %parallel_loop3A_189 {strides = array<i32>} : memref<128x128xf32, #tpu.memory_space<vmem>>, vector<16xf32>,
        %parallel_loop3A_193 = arith.index_cast %parallel_loop3A_136 : i32 to index
        %parallel_loop3A_194 = arith.constant 32 : index
        %parallel_loop3A_195 = tpu.vector_load %arg15[%parallel_loop3A_193, %parallel_loop3A_194] {strides = array<i32>} : memref<128x64xi32, #tpu.memory_space<vmem>>, vector<16xi32>,
        %parallel_loop3A_196 = vector.bitcast %parallel_loop3A_195 : vector<16xi32> to vector<32xbf16>
        %parallel_loop3A_197 = tpu.unpack_subelements %parallel_loop3A_196, 0 {pack_format = #tpu.pack_format<interleaved>} : vector<32xbf16> -> vector<16xf32>
        %parallel_loop3A_198 = tpu.unpack_subelements %parallel_loop3A_196, 1 {pack_format = #tpu.pack_format<interleaved>} : vector<32xbf16> -> vector<16xf32>
        %parallel_loop3A_199 = arith.index_cast %parallel_loop3A_136 : i32 to index
        %parallel_loop3A_200 = arith.constant 32 : index
        %parallel_loop3A_201 = tpu.vector_load %arg17[%parallel_loop3A_199, %parallel_loop3A_200] {strides = array<i32>} : memref<128x64xi32, #tpu.memory_space<vmem>>, vector<16xi32>,
        %parallel_loop3A_202 = vector.bitcast %parallel_loop3A_201 : vector<16xi32> to vector<32xbf16>
        %parallel_loop3A_203 = tpu.unpack_subelements %parallel_loop3A_202, 0 {pack_format = #tpu.pack_format<interleaved>} : vector<32xbf16> -> vector<16xf32>
        %parallel_loop3A_204 = tpu.unpack_subelements %parallel_loop3A_202, 1 {pack_format = #tpu.pack_format<interleaved>} : vector<32xbf16> -> vector<16xf32>
        %parallel_loop3A_205 = arith.index_cast %parallel_loop3A_136 : i32 to index
        %parallel_loop3A_206 = arith.constant 32 : index
        %parallel_loop3A_207 = tpu.vector_load %arg13[%parallel_loop3A_205, %parallel_loop3A_206] {strides = array<i32>} : memref<128x128xf32, #tpu.memory_space<vmem>>, vector<16xf32>,
        %parallel_loop3A_208 = arith.addf %parallel_loop3A_207, %parallel_loop3A_197 : vector<16xf32>
        %parallel_loop3A_209 = arith.addf %parallel_loop3A_208, %parallel_loop3A_203 : vector<16xf32>
        %parallel_loop3A_210 = arith.index_cast %parallel_loop3A_136 : i32 to index
        %parallel_loop3A_211 = arith.constant 32 : index
        %parallel_loop3A_212 = tpu.vector_load %arg19[%parallel_loop3A_210, %parallel_loop3A_211] {strides = array<i32>} : memref<128x128xf32, #tpu.memory_space<vmem>>, vector<16xf32>,
        tpu.vector_store %arg19[%parallel_loop3A_210, %parallel_loop3A_211], %parallel_loop3A_209 {strides = array<i32>} : memref<128x128xf32, #tpu.memory_space<vmem>>, vector<16xf32>,
        %parallel_loop3A_213 = arith.index_cast %parallel_loop3A_136 : i32 to index
        %parallel_loop3A_214 = arith.constant 96 : index
        %parallel_loop3A_215 = tpu.vector_load %arg13[%parallel_loop3A_213, %parallel_loop3A_214] {strides = array<i32>} : memref<128x128xf32, #tpu.memory_space<vmem>>, vector<16xf32>,
        %parallel_loop3A_216 = arith.addf %parallel_loop3A_215, %parallel_loop3A_198 : vector<16xf32>
        %parallel_loop3A_217 = arith.addf %parallel_loop3A_216, %parallel_loop3A_204 : vector<16xf32>
        %parallel_loop3A_218 = arith.index_cast %parallel_loop3A_136 : i32 to index
        %parallel_loop3A_219 = arith.constant 96 : index
        %parallel_loop3A_220 = tpu.vector_load %arg19[%parallel_loop3A_218, %parallel_loop3A_219] {strides = array<i32>} : memref<128x128xf32, #tpu.memory_space<vmem>>, vector<16xf32>,
        tpu.vector_store %arg19[%parallel_loop3A_218, %parallel_loop3A_219], %parallel_loop3A_217 {strides = array<i32>} : memref<128x128xf32, #tpu.memory_space<vmem>>, vector<16xf32>,
        %parallel_loop3A_221 = arith.index_cast %parallel_loop3A_136 : i32 to index
        %parallel_loop3A_222 = arith.constant 48 : index
        %parallel_loop3A_223 = tpu.vector_load %arg15[%parallel_loop3A_221, %parallel_loop3A_222] {strides = array<i32>} : memref<128x64xi32, #tpu.memory_space<vmem>>, vector<16xi32>,
        %parallel_loop3A_224 = vector.bitcast %parallel_loop3A_223 : vector<16xi32> to vector<32xbf16>
        %parallel_loop3A_225 = tpu.unpack_subelements %parallel_loop3A_224, 0 {pack_format = #tpu.pack_format<interleaved>} : vector<32xbf16> -> vector<16xf32>
        %parallel_loop3A_226 = tpu.unpack_subelements %parallel_loop3A_224, 1 {pack_format = #tpu.pack_format<interleaved>} : vector<32xbf16> -> vector<16xf32>
        %parallel_loop3A_227 = arith.index_cast %parallel_loop3A_136 : i32 to index
        %parallel_loop3A_228 = arith.constant 48 : index
        %parallel_loop3A_229 = tpu.vector_load %arg17[%parallel_loop3A_227, %parallel_loop3A_228] {strides = array<i32>} : memref<128x64xi32, #tpu.memory_space<vmem>>, vector<16xi32>,
        %parallel_loop3A_230 = vector.bitcast %parallel_loop3A_229 : vector<16xi32> to vector<32xbf16>
        %parallel_loop3A_231 = tpu.unpack_subelements %parallel_loop3A_230, 0 {pack_format = #tpu.pack_format<interleaved>} : vector<32xbf16> -> vector<16xf32>
        %parallel_loop3A_232 = tpu.unpack_subelements %parallel_loop3A_230, 1 {pack_format = #tpu.pack_format<interleaved>} : vector<32xbf16> -> vector<16xf32>
        %parallel_loop3A_233 = arith.index_cast %parallel_loop3A_136 : i32 to index
        %parallel_loop3A_234 = arith.constant 48 : index
        %parallel_loop3A_235 = tpu.vector_load %arg13[%parallel_loop3A_233, %parallel_loop3A_234] {strides = array<i32>} : memref<128x128xf32, #tpu.memory_space<vmem>>, vector<16xf32>,
        %parallel_loop3A_236 = arith.addf %parallel_loop3A_235, %parallel_loop3A_225 : vector<16xf32>
        %parallel_loop3A_237 = arith.addf %parallel_loop3A_236, %parallel_loop3A_231 : vector<16xf32>
        %parallel_loop3A_238 = arith.index_cast %parallel_loop3A_136 : i32 to index
        %parallel_loop3A_239 = arith.constant 48 : index
        %parallel_loop3A_240 = tpu.vector_load %arg19[%parallel_loop3A_238, %parallel_loop3A_239] {strides = array<i32>} : memref<128x128xf32, #tpu.memory_space<vmem>>, vector<16xf32>,
        tpu.vector_store %arg19[%parallel_loop3A_238, %parallel_loop3A_239], %parallel_loop3A_237 {strides = array<i32>} : memref<128x128xf32, #tpu.memory_space<vmem>>, vector<16xf32>,
        %parallel_loop3A_241 = arith.index_cast %parallel_loop3A_136 : i32 to index
        %parallel_loop3A_242 = arith.constant 112 : index
        %parallel_loop3A_243 = tpu.vector_load %arg13[%parallel_loop3A_241, %parallel_loop3A_242] {strides = array<i32>} : memref<128x128xf32, #tpu.memory_space<vmem>>, vector<16xf32>,
        %parallel_loop3A_244 = arith.addf %parallel_loop3A_243, %parallel_loop3A_226 : vector<16xf32>
        %parallel_loop3A_245 = arith.addf %parallel_loop3A_244, %parallel_loop3A_232 : vector<16xf32>
        %parallel_loop3A_246 = arith.index_cast %parallel_loop3A_136 : i32 to index
        %parallel_loop3A_247 = arith.constant 112 : index
        %parallel_loop3A_248 = tpu.vector_load %arg19[%parallel_loop3A_246, %parallel_loop3A_247] {strides = array<i32>} : memref<128x128xf32, #tpu.memory_space<vmem>>, vector<16xf32>,
        tpu.vector_store %arg19[%parallel_loop3A_246, %parallel_loop3A_247], %parallel_loop3A_245 {strides = array<i32>} : memref<128x128xf32, #tpu.memory_space<vmem>>, vector<16xf32>,
      } {sc.loop_unroll_factor = 4 : i64, sc.parallel_access}
      %dma_start3A_127 = arith.constant 0 : i32
      %dma_start3A_128 = tpu.memref_slice %arg8[%add3A_100, %dma_start3A_127] : memref<204800x128xf32, #tpu.memory_space<hbm>> -> memref<128x128xf32, #tpu.memory_space<hbm>>
      %dma_start3A_129 = arith.constant 0 : i32
      %dma_start3A_130 = tpu.memref_slice %arg8[%add3A_100, %dma_start3A_129] : memref<204800x128xf32, #tpu.memory_space<hbm>> -> memref<128x128xf32, #tpu.memory_space<hbm>>
      tpu.enqueue_dma source(%arg19 : memref<128x128xf32, #tpu.memory_space<vmem>>) target(%dma_start3A_130 : memref<128x128xf32, #tpu.memory_space<hbm>>) target_semaphore(%arg27 : memref<!tpu.dma_semaphore, #tpu.memory_space<semaphore_mem>>)
      %lt3A_131 = arith.constant 24 : i32
      %lt3A_132 = arith.cmpi slt, %scan3A_56, %lt3A_131 : i32
      %convert_element_type3A_133 = arith.extui %lt3A_132 : i1 to i32
      %cond3A_134 = arith.constant 0 : i32
      %cond3A_135 = arith.cmpi ne, %convert_element_type3A_133, %cond3A_134 : i32
      scf.if %cond3A_135 {
        %add3A_136 = arith.constant 2 : i32
        %add3A_137 = arith.addi %add3A_97, %add3A_136 : i32
        %dma_start3A_138 = arith.constant 0 : i32
        %dma_start3A_139 = tpu.memref_slice %arg9[%add3A_137, %dma_start3A_138] : memref<50x128xi32, #tpu.memory_space<vmem>> -> memref<1x128xi32, #tpu.memory_space<vmem>>
        %dma_start3A_140 = tpu.memref_squeeze %dma_start3A_139 : memref<1x128xi32, #tpu.memory_space<vmem>> -> memref<128xi32, #tpu.memory_space<vmem>>
        %dma_start3A_141 = arith.constant 0 : i32
        %dma_start3A_142 = arith.constant 0 : i32
        %dma_start3A_143 = tpu.memref_slice %arg2[%dma_start3A_141, %dma_start3A_142] : memref<100000x128xf32, #tpu.memory_space<hbm>> -> memref<100000x128xf32, #tpu.memory_space<hbm>>
        tpu.enqueue_indirect_dma source(%dma_start3A_143 : memref<100000x128xf32, #tpu.memory_space<hbm>>) target(%arg13 : memref<128x128xf32, #tpu.memory_space<vmem>>) offsets(%dma_start3A_140 : memref<128xi32, #tpu.memory_space<vmem>>) semaphore(%arg23 : memref<!tpu.dma_semaphore, #tpu.memory_space<semaphore_mem>>)
        %dma_start3A_144 = arith.constant 0 : i32
        %dma_start3A_145 = tpu.memref_slice %arg10[%add3A_137, %dma_start3A_144] : memref<50x128xi32, #tpu.memory_space<vmem>> -> memref<1x128xi32, #tpu.memory_space<vmem>>
        %dma_start3A_146 = tpu.memref_squeeze %dma_start3A_145 : memref<1x128xi32, #tpu.memory_space<vmem>> -> memref<128xi32, #tpu.memory_space<vmem>>
        %dma_start3A_147 = arith.constant 0 : i32
        %dma_start3A_148 = arith.constant 0 : i32
        %dma_start3A_149 = tpu.memref_slice %arg3[%dma_start3A_147, %dma_start3A_148] : memref<675x64xi32, #tpu.memory_space<hbm>> -> memref<675x64xi32, #tpu.memory_space<hbm>>
        tpu.enqueue_indirect_dma source(%dma_start3A_149 : memref<675x64xi32, #tpu.memory_space<hbm>>) target(%arg15 : memref<128x64xi32, #tpu.memory_space<vmem>>) offsets(%dma_start3A_146 : memref<128xi32, #tpu.memory_space<vmem>>) semaphore(%arg24 : memref<!tpu.dma_semaphore, #tpu.memory_space<semaphore_mem>>)
        %dma_start3A_150 = arith.constant 0 : i32
        %dma_start3A_151 = tpu.memref_slice %arg11[%add3A_137, %dma_start3A_150] : memref<50x128xi32, #tpu.memory_space<vmem>> -> memref<1x128xi32, #tpu.memory_space<vmem>>
        %dma_start3A_152 = tpu.memref_squeeze %dma_start3A_151 : memref<1x128xi32, #tpu.memory_space<vmem>> -> memref<128xi32, #tpu.memory_space<vmem>>
        %dma_start3A_153 = arith.constant 0 : i32
        %dma_start3A_154 = arith.constant 0 : i32
        %dma_start3A_155 = tpu.memref_slice %arg4[%dma_start3A_153, %dma_start3A_154] : memref<200x64xi32, #tpu.memory_space<hbm>> -> memref<200x64xi32, #tpu.memory_space<hbm>>
        tpu.enqueue_indirect_dma source(%dma_start3A_155 : memref<200x64xi32, #tpu.memory_space<hbm>>) target(%arg17 : memref<128x64xi32, #tpu.memory_space<vmem>>) offsets(%dma_start3A_152 : memref<128xi32, #tpu.memory_space<vmem>>) semaphore(%arg25 : memref<!tpu.dma_semaphore, #tpu.memory_space<semaphore_mem>>)
      } else {
      }
    }
    %scan3A_48 = arith.constant 25 : i32
    %dma_wait3A = arith.constant 0 : i32
    %dma_wait3A_49 = tpu.memref_slice %arg8[%mul3A_2, %dma_wait3A] : memref<204800x128xf32, #tpu.memory_space<hbm>> -> memref<128x128xf32, #tpu.memory_space<hbm>>
    %dma_wait3A_50 = arith.constant 0 : i32
    %dma_wait3A_51 = tpu.memref_slice %arg8[%mul3A_2, %dma_wait3A_50] : memref<204800x128xf32, #tpu.memory_space<hbm>> -> memref<128x128xf32, #tpu.memory_space<hbm>>
    tpu.wait_dma2 semaphore(%arg26 : memref<!tpu.dma_semaphore, #tpu.memory_space<semaphore_mem>>) src(%arg18 : memref<128x128xf32, #tpu.memory_space<vmem>>) dst(%dma_wait3A_51 : memref<128x128xf32, #tpu.memory_space<hbm>>)
    %dma_wait3A_52 = arith.constant 0 : i32
    %dma_wait3A_53 = tpu.memref_slice %arg8[%mul3A_2, %dma_wait3A_52] : memref<204800x128xf32, #tpu.memory_space<hbm>> -> memref<128x128xf32, #tpu.memory_space<hbm>>
    %dma_wait3A_54 = arith.constant 0 : i32
    %dma_wait3A_55 = tpu.memref_slice %arg8[%mul3A_2, %dma_wait3A_54] : memref<204800x128xf32, #tpu.memory_space<hbm>> -> memref<128x128xf32, #tpu.memory_space<hbm>>
    tpu.wait_dma2 semaphore(%arg27 : memref<!tpu.dma_semaphore, #tpu.memory_space<semaphore_mem>>) src(%arg19 : memref<128x128xf32, #tpu.memory_space<vmem>>) dst(%dma_wait3A_55 : memref<128x128xf32, #tpu.memory_space<hbm>>)
    return
  }
}

module attributes {stable_mosaic.version = 14 : i64} {
  func.func @_table_body(%arg0: i32, %arg1: memref<10000x128xf32, #tpu.memory_space<vmem>>, %arg2: memref<10000x32xf32, #tpu.memory_space<vmem>>, %arg3: memref<32x128xf32, #tpu.memory_space<vmem>>, %arg4: memref<15x128xf32, #tpu.memory_space<vmem>>, %arg5: memref<15x128xf32, #tpu.memory_space<vmem>>, %arg6: memref<3x128xf32, #tpu.memory_space<vmem>>, %arg7: memref<200x128xf32, #tpu.memory_space<vmem>>, %arg8: memref<10000x128xf32, #tpu.memory_space<vmem>>, %arg9: memref<675x64xi32, #tpu.memory_space<vmem>>, %arg10: memref<200x64xi32, #tpu.memory_space<vmem>>) attributes {dimension_semantics = [#tpu.dimension_semantics<arbitrary>], iteration_bounds = array<i64: 10>, scalar_prefetch = 0 : i64, scratch_operands = 0 : i64, tpu.core_type = #tpu.core_type<tc>, window_params = [{transform_indices = @transform_0, window_bounds = array<i64: 10000, 128>}, {transform_indices = @transform_1, window_bounds = array<i64: 10000, 32>}, {pipeline_mode = #tpu.pipeline_mode<synchronous>, transform_indices = @transform_2, window_bounds = array<i64: 32, 128>}, {pipeline_mode = #tpu.pipeline_mode<synchronous>, transform_indices = @transform_3, window_bounds = array<i64: 15, 128>}, {pipeline_mode = #tpu.pipeline_mode<synchronous>, transform_indices = @transform_4, window_bounds = array<i64: 15, 128>}, {pipeline_mode = #tpu.pipeline_mode<synchronous>, transform_indices = @transform_5, window_bounds = array<i64: 3, 128>}, {pipeline_mode = #tpu.pipeline_mode<synchronous>, transform_indices = @transform_6, window_bounds = array<i64: 200, 128>}, {transform_indices = @transform_7, window_bounds = array<i64: 10000, 128>}, {pipeline_mode = #tpu.pipeline_mode<synchronous>, transform_indices = @transform_8, window_bounds = array<i64: 675, 64>}, {pipeline_mode = #tpu.pipeline_mode<synchronous>, transform_indices = @transform_9, window_bounds = array<i64: 200, 64>}]} {
    %lt3A = arith.constant 5 : i32
    %lt3A_0 = arith.cmpi slt, %arg0, %lt3A : i32
    %convert_element_type3A = arith.extui %lt3A_0 : i1 to i32
    %cond3A = arith.constant 0 : i32
    %cond3A_1 = arith.cmpi ne, %convert_element_type3A, %cond3A : i32
    scf.if %cond3A_1 {
      %get3A = arith.constant 0 : index
      %get3A_10 = arith.constant 0 : index
      %get3A_11 = vector.load %arg1[%get3A, %get3A_10] : memref<10000x128xf32, #tpu.memory_space<vmem>>, vector<10000x128xf32>
      %swap3A = arith.constant 0 : index
      %swap3A_12 = arith.constant 0 : index
      %swap3A_13 = vector.load %arg8[%swap3A, %swap3A_12] : memref<10000x128xf32, #tpu.memory_space<vmem>>, vector<10000x128xf32>
      tpu.vector_store %arg8[%swap3A, %swap3A_12], %get3A_11 {strides = array<i32>} : memref<10000x128xf32, #tpu.memory_space<vmem>>, vector<10000x128xf32>,
    } else {
    }
    %ge3A = arith.constant 5 : i32
    %ge3A_2 = arith.cmpi sge, %arg0, %ge3A : i32
    %convert_element_type3A_3 = arith.extui %ge3A_2 : i1 to i32
    %cond3A_4 = arith.constant 0 : i32
    %cond3A_5 = arith.cmpi ne, %convert_element_type3A_3, %cond3A_4 : i32
    scf.if %cond3A_5 {
      %get3A = arith.constant 0 : index
      %get3A_10 = arith.constant 0 : index
      %get3A_11 = vector.load %arg2[%get3A, %get3A_10] : memref<10000x32xf32, #tpu.memory_space<vmem>>, vector<10000x32xf32>
      %get3A_12 = arith.constant 0 : index
      %get3A_13 = arith.constant 0 : index
      %get3A_14 = vector.load %arg3[%get3A_12, %get3A_13] : memref<32x128xf32, #tpu.memory_space<vmem>>, vector<32x128xf32>
      %dot_general3A = arith.constant dense<0.000000e+00> : vector<10000x128xf32>
      %dot_general3A_15 = tpu.matmul %get3A_11, %get3A_14, %dot_general3A {dimension_numbers = #tpu.dot_dimension_numbers<[1], [0], [0], [1], [0, 0, 1, 1], [], []>, transpose_lhs_hint = false} : vector<10000x32xf32>, vector<32x128xf32>, vector<10000x128xf32> -> vector<10000x128xf32>
      %swap3A = arith.constant 0 : index
      %swap3A_16 = arith.constant 0 : index
      %swap3A_17 = vector.load %arg8[%swap3A, %swap3A_16] : memref<10000x128xf32, #tpu.memory_space<vmem>>, vector<10000x128xf32>
      tpu.vector_store %arg8[%swap3A, %swap3A_16], %dot_general3A_15 {strides = array<i32>} : memref<10000x128xf32, #tpu.memory_space<vmem>>, vector<10000x128xf32>,
    } else {
    }
    %eq3A = arith.constant 0 : i32
    %eq3A_6 = arith.cmpi eq, %arg0, %eq3A : i32
    %convert_element_type3A_7 = arith.extui %eq3A_6 : i1 to i32
    %cond3A_8 = arith.constant 0 : i32
    %cond3A_9 = arith.cmpi ne, %convert_element_type3A_7, %cond3A_8 : i32
    scf.if %cond3A_9 {
      %get3A = arith.constant 0 : index
      %get3A_10 = arith.constant 0 : index
      %get3A_11 = vector.load %arg4[%get3A, %get3A_10] : memref<15x128xf32, #tpu.memory_space<vmem>>, vector<15x128xf32>
      %broadcast_in_dim3A = vector.shape_cast %get3A_11 : vector<15x128xf32> to vector<15x1x1x128xf32>
      %get3A_12 = arith.constant 0 : index
      %get3A_13 = arith.constant 0 : index
      %get3A_14 = vector.load %arg5[%get3A_12, %get3A_13] : memref<15x128xf32, #tpu.memory_space<vmem>>, vector<15x128xf32>
      %broadcast_in_dim3A_15 = vector.shape_cast %get3A_14 : vector<15x128xf32> to vector<1x15x1x128xf32>
      %add3A = vector.broadcast %broadcast_in_dim3A : vector<15x1x1x128xf32> to vector<15x15x1x128xf32>
      %add3A_16 = vector.broadcast %broadcast_in_dim3A_15 : vector<1x15x1x128xf32> to vector<15x15x1x128xf32>
      %add3A_17 = arith.addf %add3A, %add3A_16 : vector<15x15x1x128xf32>
      %get3A_18 = arith.constant 0 : index
      %get3A_19 = arith.constant 0 : index
      %get3A_20 = vector.load %arg6[%get3A_18, %get3A_19] : memref<3x128xf32, #tpu.memory_space<vmem>>, vector<3x128xf32>
      %broadcast_in_dim3A_21 = vector.shape_cast %get3A_20 : vector<3x128xf32> to vector<1x1x3x128xf32>
      %add3A_22 = vector.broadcast %add3A_17 : vector<15x15x1x128xf32> to vector<15x15x3x128xf32>
      %add3A_23 = vector.broadcast %broadcast_in_dim3A_21 : vector<1x1x3x128xf32> to vector<15x15x3x128xf32>
      %add3A_24 = arith.addf %add3A_22, %add3A_23 : vector<15x15x3x128xf32>
      %reshape3A = vector.shape_cast %add3A_24 : vector<15x15x3x128xf32> to vector<675x128xf32>
      %slice3A = vector.extract_strided_slice %reshape3A {offsets = [0, 0], sizes = [675, 64], strides = [1, 1]} : vector<675x128xf32> to vector<675x64xf32>
      %bitcast_convert_type3A = tpu.bitcast %slice3A : vector<675x64xf32> -> vector<675x64xi32>
      %slice3A_25 = vector.extract_strided_slice %reshape3A {offsets = [0, 64], sizes = [675, 64], strides = [1, 1]} : vector<675x128xf32> to vector<675x64xf32>
      %bitcast_convert_type3A_26 = tpu.bitcast %slice3A_25 : vector<675x64xf32> -> vector<675x64xi32>
      %shift_right_logical3A = arith.constant 16 : i32
      %shift_right_logical3A_27 = vector.broadcast %shift_right_logical3A : i32 to vector<675x64xi32>
      %shift_right_logical3A_28 = arith.shrui %bitcast_convert_type3A, %shift_right_logical3A_27 : vector<675x64xi32>
      %and3A = arith.constant -65536 : i32
      %and3A_29 = vector.broadcast %and3A : i32 to vector<675x64xi32>
      %and3A_30 = arith.andi %bitcast_convert_type3A_26, %and3A_29 : vector<675x64xi32>
      %or3A = arith.ori %shift_right_logical3A_28, %and3A_30 : vector<675x64xi32>
      %swap3A = arith.constant 0 : index
      %swap3A_31 = arith.constant 0 : index
      %swap3A_32 = vector.load %arg9[%swap3A, %swap3A_31] : memref<675x64xi32, #tpu.memory_space<vmem>>, vector<675x64xi32>
      tpu.vector_store %arg9[%swap3A, %swap3A_31], %or3A {strides = array<i32>} : memref<675x64xi32, #tpu.memory_space<vmem>>, vector<675x64xi32>,
      %get3A_33 = arith.constant 0 : index
      %get3A_34 = arith.constant 0 : index
      %get3A_35 = vector.load %arg7[%get3A_33, %get3A_34] : memref<200x128xf32, #tpu.memory_space<vmem>>, vector<200x128xf32>
      %slice3A_36 = vector.extract_strided_slice %get3A_35 {offsets = [0, 0], sizes = [200, 64], strides = [1, 1]} : vector<200x128xf32> to vector<200x64xf32>
      %bitcast_convert_type3A_37 = tpu.bitcast %slice3A_36 : vector<200x64xf32> -> vector<200x64xi32>
      %slice3A_38 = vector.extract_strided_slice %get3A_35 {offsets = [0, 64], sizes = [200, 64], strides = [1, 1]} : vector<200x128xf32> to vector<200x64xf32>
      %bitcast_convert_type3A_39 = tpu.bitcast %slice3A_38 : vector<200x64xf32> -> vector<200x64xi32>
      %shift_right_logical3A_40 = arith.constant 16 : i32
      %shift_right_logical3A_41 = vector.broadcast %shift_right_logical3A_40 : i32 to vector<200x64xi32>
      %shift_right_logical3A_42 = arith.shrui %bitcast_convert_type3A_37, %shift_right_logical3A_41 : vector<200x64xi32>
      %and3A_43 = arith.constant -65536 : i32
      %and3A_44 = vector.broadcast %and3A_43 : i32 to vector<200x64xi32>
      %and3A_45 = arith.andi %bitcast_convert_type3A_39, %and3A_44 : vector<200x64xi32>
      %or3A_46 = arith.ori %shift_right_logical3A_42, %and3A_45 : vector<200x64xi32>
      %swap3A_47 = arith.constant 0 : index
      %swap3A_48 = arith.constant 0 : index
      %swap3A_49 = vector.load %arg10[%swap3A_47, %swap3A_48] : memref<200x64xi32, #tpu.memory_space<vmem>>, vector<200x64xi32>
      tpu.vector_store %arg10[%swap3A_47, %swap3A_48], %or3A_46 {strides = array<i32>} : memref<200x64xi32, #tpu.memory_space<vmem>>, vector<200x64xi32>,
    } else {
    }
    return
  }
  func.func @transform_0(%arg0: i32) -> (i32, i32) {
    %min3A = arith.constant 4 : i32
    %min3A_0 = arith.minsi %arg0, %min3A : i32
    %c0_i32 = arith.constant 0 : i32
    %c0_i32_1 = arith.constant 0 : i32
    return %min3A_0, %c0_i32 : i32, i32
  }
  func.func @transform_1(%arg0: i32) -> (i32, i32) {
    %sub3A = arith.constant 5 : i32
    %sub3A_0 = arith.subi %arg0, %sub3A : i32
    %max3A = arith.constant 0 : i32
    %max3A_1 = arith.maxsi %sub3A_0, %max3A : i32
    %c0_i32 = arith.constant 0 : i32
    %c0_i32_2 = arith.constant 0 : i32
    return %max3A_1, %c0_i32 : i32, i32
  }
  func.func @transform_2(%arg0: i32) -> (i32, i32) {
    %c0_i32 = arith.constant 0 : i32
    %c0_i32_0 = arith.constant 0 : i32
    %c0_i32_1 = arith.constant 0 : i32
    return %c0_i32, %c0_i32_0 : i32, i32
  }
  func.func @transform_3(%arg0: i32) -> (i32, i32) {
    %c0_i32 = arith.constant 0 : i32
    %c0_i32_0 = arith.constant 0 : i32
    %c0_i32_1 = arith.constant 0 : i32
    return %c0_i32, %c0_i32_0 : i32, i32
  }
  func.func @transform_4(%arg0: i32) -> (i32, i32) {
    %c0_i32 = arith.constant 0 : i32
    %c0_i32_0 = arith.constant 0 : i32
    %c0_i32_1 = arith.constant 0 : i32
    return %c0_i32, %c0_i32_0 : i32, i32
  }
  func.func @transform_5(%arg0: i32) -> (i32, i32) {
    %c0_i32 = arith.constant 0 : i32
    %c0_i32_0 = arith.constant 0 : i32
    %c0_i32_1 = arith.constant 0 : i32
    return %c0_i32, %c0_i32_0 : i32, i32
  }
  func.func @transform_6(%arg0: i32) -> (i32, i32) {
    %c0_i32 = arith.constant 0 : i32
    %c0_i32_0 = arith.constant 0 : i32
    %c0_i32_1 = arith.constant 0 : i32
    return %c0_i32, %c0_i32_0 : i32, i32
  }
  func.func @transform_7(%arg0: i32) -> (i32, i32) {
    %c0_i32 = arith.constant 0 : i32
    %c0_i32_0 = arith.constant 0 : i32
    return %arg0, %c0_i32 : i32, i32
  }
  func.func @transform_8(%arg0: i32) -> (i32, i32) {
    %c0_i32 = arith.constant 0 : i32
    %c0_i32_0 = arith.constant 0 : i32
    %c0_i32_1 = arith.constant 0 : i32
    return %c0_i32, %c0_i32_0 : i32, i32
  }
  func.func @transform_9(%arg0: i32) -> (i32, i32) {
    %c0_i32 = arith.constant 0 : i32
    %c0_i32_0 = arith.constant 0 : i32
    %c0_i32_1 = arith.constant 0 : i32
    return %c0_i32, %c0_i32_0 : i32, i32
  }
}

</mosaic_0001>

<sc_bundles>
// kernel: kernel.4.cloned.1.call-start
scs
__scs_entry_jumppad:
0x0: {  	(pc) =	sbr.rel $0x88, $3  }
0x1: {  	(tag) =	ssettag $0x0;
	lr =	simm.s32 $0x1  }
0x2: {  	[smem:$0x3F95] =	sst lr;
	_ =	strace $0xD0000000  }
0x3: {  	_ = 	snop  }
0x4: {  	_ = 	snop  }
0x5: {  	_ = 	snop  }
0x6: {  	_ = 	snop  }
0x7: {  	_ = 	snop  }
__scs_overlays_trampoline_lowered:
0x8: {  	[smem:$0x3FA4] =	sst s0  }
0x9: {  	[smem:$0x3FA5] =	sst s1  }
0xa: {  	[smem:$0x3FA6] =	sst s2  }
0xb: {  	[smem:$0x3FA7] =	sst s3  }
0xc: {  	[smem:$0x3FA8] =	sst s4  }
0xd: {  	[smem:$0x3FA9] =	sst s5  }
0xe: {  	[smem:$0x3FAA] =	sst s6  }
0xf: {  	[smem:$0x3FAB] =	sst s7  }
0x10: {  	[smem:$0x3FAC] =	sst s8  }
0x11: {  	[smem:$0x3FAD] =	sst s9;
	s0 =	simm.s32 @!p0 $0x0  }
0x12: {  	s1 =	sld [smem:$0x3F93];
	s0 =	simm.s32 @p0 $0x1  }
0x13: {  	[smem:$0x3FAE] =	sst s0;
	s0 =	simm.s32 @!p1 $0x0  }
0x14: {  	s2 =	sld [smem:$0x3F92];
	s0 =	simm.s32 @p1 $0x1  }
0x15: {  	[smem:$0x3FAF] =	sst s0;
	s0 =	simm.s32 @!p2 $0x0  }
0x16: {  	s3 =	sld [smem:$0x3FDB];
	s0 =	simm.s32 @p2 $0x1  }
0x17: {  	s4 =	simm.s32 $0x1BF5;
	[smem:$0x3FB1] =	sst s0  }
0x18: {  	s0 =	sld [smem:$0x3F94];
	_ =	swait.ge [sflag:s4], $0x0  }
0x19: {  	s7 =	sld [smem:$0x3F95]  }
0x1a: {  	s8 =	sadd.s32 $0xFFFFE003, lr  }
0x1b: {  	s9 =	sadd.s32 $0xFFFFFEF7, lr;
	s5 =	simm.s32 $0xFFFFFFFF;
	p2 =	slt.u32 s8, $0xFFFFF086  }
0x1c: {  	p1 =	slt.u32 s9, $0xF7A;
	s5 =	simm.s32 @!p2 $0x0  }
0x1d: {  	s5 =	simm.s32 @p1 $0x1;
	p0 =	seq.s32 s7, s2  }
0x1e: {  	s7 =	smul.u32 @!p0 $0xF7A, s2;
	p2 =	seq.s32 @!p0 s5, $0x0  }
0x1f: {  	s9 =	smul.u32 $0xF7A, s1;
	s8 =	simm.s32 @!p0 $0x1BF5;
	p2 =	por !p2, p0  }
0x20: {  	[sflag:s8] =	ssyncset.s32 @!p0 $0xFFFFF086;
	s6 =	sadd.s32 @!p0 s3, s7;
	s7 =	simm.s32 @!p0 $0x108  }
0x21: {  	s3 =	sadd.s32 s3, s9;
	s6 =	sadd.s32 @!p0 $0x88, s6;
	s7 =	simm.s32 @p2 $0x1082  }
0x22: {  	[simem:s7], [sflag:s8] =	dma.local @!p0 [hbm:s6], $0xF7A  }
0x23: {  	s9 =	sor.u32 $0xD0000000, s2;
	s6 =	simm.s32 $0x108;
	_ =	swait.ge @!p0 [sflag:s8], $0x0  }
0x24: {  	s3 =	sadd.s32 $0x88, s3;
	s6 =	simm.s32 @!p1 $0x1082;
	[sflag:s4] =	ssyncset.s32 $0xFFFFF086  }
0x25: {  	[simem:s6], [sflag:s4] =	dma.local [hbm:s3], $0xF7A  }
0x26: {  	[smem:$0x3F95] =	sst s1;
	(tag) =	ssettag s2;
	_ =	strace s9  }
0x27: {  	s1 =	sld [smem:$0x3FA5]  }
0x28: {  	s2 =	sld [smem:$0x3FA6]  }
0x29: {  	s4 =	sld [smem:$0x3FA8]  }
0x2a: {  	p0 =	seq.s32 s5, $0x0;
	s5 =	sld [smem:$0x3FA9]  }
0x2b: {  	s6 =	sld [smem:$0x3FAA]  }
0x2c: {  	s7 =	sld [smem:$0x3FAB]  }
0x2d: {  	s3 =	simm.s32 $0x108;
	s8 =	sld [smem:$0x3FAC]  }
0x2e: {  	s3 =	simm.s32 @!p0 $0x1082;
	s9 =	sld [smem:$0x3FAD]  }
0x2f: {  	lr =	sadd.s32 s0, s3;
	s0 =	sld [smem:$0x3FA4]  }
0x30: {  	s3 =	sld [smem:$0x3FA7]  }
0x31: {  	[smem:$0x3FB0] =	sst s10  }
0x32: {  	s10 =	sld [smem:$0x3FAE];
	_ =	sdelay $0x3  }
0x33: {  	p0 =	seq.s32 s10, $0x1;
	s10 =	sld [smem:$0x3FB0];
	_ =	sdelay $0x3  }
0x34: {  	[smem:$0x3FB0] =	sst s10  }
0x35: {  	s10 =	sld [smem:$0x3FAF];
	_ =	sdelay $0x3  }
0x36: {  	p1 =	seq.s32 s10, $0x1;
	s10 =	sld [smem:$0x3FB0];
	_ =	sdelay $0x3  }
0x37: {  	[smem:$0x3FB0] =	sst s10  }
0x38: {  	s10 =	sld [smem:$0x3FB1]  }
0x39: {  	_ = 	snop;
	(pc) =	sbr.ind lr, $3  }
0x3a: {  	_ = 	snop  }
0x3b: {  	_ = 	snop  }
0x3c: {  	p2 =	seq.s32 s10, $0x1;
	s10 =	sld [smem:$0x3FB0]  }
0x3d: {  	_ =	shalt  }
0x3e: {  	_ =	shalt  }
0x3f: {  	_ =	shalt  }
0x40: {  	_ =	shalt  }
0x41: {  	_ =	shalt  }
0x42: {  	_ =	shalt  }
0x43: {  	_ =	shalt  }
0x44: {  	_ =	shalt  }
0x45: {  	_ =	shalt  }
0x46: {  	_ =	shalt  }
0x47: {  	_ =	shalt  }
0x48: {  	_ =	shalt  }
0x49: {  	_ =	shalt  }
0x4a: {  	_ =	shalt  }
0x4b: {  	_ =	shalt  }
0x4c: {  	_ =	shalt  }
0x4d: {  	_ =	shalt  }
0x4e: {  	_ =	shalt  }
0x4f: {  	_ =	shalt  }
0x50: {  	_ =	shalt  }
0x51: {  	_ =	shalt  }
0x52: {  	_ =	shalt  }
0x53: {  	_ =	shalt  }
0x54: {  	_ =	shalt  }
0x55: {  	_ =	shalt  }
0x56: {  	_ =	shalt  }
0x57: {  	_ =	shalt  }
0x58: {  	_ =	shalt  }
0x59: {  	_ =	shalt  }
0x5a: {  	_ =	shalt  }
0x5b: {  	_ =	shalt  }
0x5c: {  	_ =	shalt  }
0x5d: {  	_ =	shalt  }
0x5e: {  	_ =	shalt  }
0x5f: {  	_ =	shalt  }
0x60: {  	_ =	shalt  }
0x61: {  	_ =	shalt  }
0x62: {  	_ =	shalt  }
0x63: {  	_ =	shalt  }
0x64: {  	_ =	shalt  }
0x65: {  	_ =	shalt  }
0x66: {  	_ =	shalt  }
0x67: {  	_ =	shalt  }
0x68: {  	_ =	shalt  }
0x69: {  	_ =	shalt  }
0x6a: {  	_ =	shalt  }
0x6b: {  	_ =	shalt  }
0x6c: {  	_ =	shalt  }
0x6d: {  	_ =	shalt  }
0x6e: {  	_ =	shalt  }
0x6f: {  	_ =	shalt  }
0x70: {  	_ =	shalt  }
0x71: {  	_ =	shalt  }
0x72: {  	_ =	shalt  }
0x73: {  	_ =	shalt  }
0x74: {  	_ =	shalt  }
0x75: {  	_ =	shalt  }
0x76: {  	_ =	shalt  }
0x77: {  	_ =	shalt  }
0x78: {  	_ =	shalt  }
0x79: {  	_ =	shalt  }
0x7a: {  	_ =	shalt  }
0x7b: {  	_ =	shalt  }
0x7c: {  	_ =	shalt  }
0x7d: {  	_ =	shalt  }
0x7e: {  	_ =	shalt  }
0x7f: {  	_ =	shalt  }
0x80: {  	_ =	shalt  }
0x81: {  	_ =	shalt  }
0x82: {  	_ =	shalt  }
0x83: {  	_ =	shalt  }
0x84: {  	_ =	shalt  }
0x85: {  	_ =	shalt  }
0x86: {  	_ =	shalt  }
0x87: {  	_ =	shalt  }
.Lfunc_end0:
.L_simem_size_0:
called_computation_lowered:
.L_overlay_start_0:
0x88: {  	s2 =	sld [smem:$0x3FD9]  }
0x89: {  	s3 =	sld [smem:$0x3FFE];
	_ =	sdelay $0x1  }
0x8a: {  	s1 =	srdreg.scid  }
0x8b: {  	s0 =	sand.u32 $0x1, s1  }
0x8c: {  	s17 =	sshll.u32 s0, $0xA;
	s2 =	sadd.s32 s3, s2  }
0x8d: {  	s2 =	sadd.s32 s2, s17  }
0x8e: {  	[smem:$0x3FBC] =	sst s2  }
0x8f: {  	_ = 	snop  }
0x90: {  	s2 =	sld [smem:$0x3FD0];
	(tm) =	ssettm $0x1  }
0x91: {  	s18 =	sld [smem:$0x3FFB];
	_ =	sdelay $0x3  }
0x92: {  	_ =	strace s18  }
0x93: {  	s3 =	sld [smem:$0x3FFC];
	_ =	sdelay $0x3  }
0x94: {  	_ =	strace s3  }
0x95: {  	s3 =	sld [smem:$0x3FFD];
	_ =	sdelay $0x3  }
0x96: {  	_ =	strace s3  }
0x97: {  	_ =	strace $0x8FFFFFFF  }
0x98: {  	s19 =	sld [smem:$0x3FDB];
	_ =	sdelay $0x1  }
0x99: {  	s4 =	simm.s32 $_scs_section_size  }
0x9a: {  	s5 =	simm.s32 $_size__tile_overlayer_lowered;
	s6 =	simm.s32 $_tile_overlayer_lowered  }
0x9b: {  	s22 =	simm.s32 $0x1BFF;
	s21 =	sshll.u32 s6, $0x1;
	s3 =	sadd.s32 s4, s19  }
0x9c: {  	s7 =	simm.s32 $0x0;
	s20 =	sshll.u32 s5, $0x1;
	s5 =	sadd.s32 s21, s3  }
0x9d: {  	[timem:s7], [sflag:s22] =	dma.local [hbm:s5], s20  }
0x9e: {  	_ =	swait.ge [sflag:s22], s20  }
0x9f: {  	s4 =	ssub.s32 $0x0, s20;
	[sflag:s22] =	ssyncset.done $0x0  }
0xa0: {  	[sflag:s22] =	ssyncadd.s32 s4;
	_ =	sdelay $0x1  }
0xa1: {  	s23 =	simm.s32 $0x1B8B  }
0xa2: {  	_ =	swait.ge [sflag:s23], $0x1  }
0xa3: {  	[sflag:s23] =	ssyncset.done $0x0  }
0xa4: {  	s25 =	simm.s32 $0x1B8E;
	s24 =	sld [smem:$0x3FFE];
	[sflag:s23] =	ssyncadd.s32 $0xFFFFFFFF  }
0xa5: {  	s26 =	simm.s32 $execute0_lowered;
	[smem:$0x3FD2] =	sst s25  }
0xa6: {  	s5 =	sshll.u32 s26, $0x1;
	_ =	strace $0x80000046;
	[dreg:$0x1] =	wrdreg $0xFFFFFFFF  }
0xa7: {  	s28 =	simm.s32 $_size_execute0_lowered;
	s3 =	sadd.s32 s3, s5;
	[dreg:$0x0] =	wrdreg $0x0  }
0xa8: {  	s5 =	sshll.u32 s28, $0x1;
	[dreg:$0x2] =	wrdreg s3  }
0xa9: {  	[dreg:$0x3] =	wrdreg s5  }
0xaa: {  	[dreg:$0x4] =	wrdreg $0xC0  }
0xab: {  	_ =	task [dreg:s7], $0x5FFFF  }
0xac: {  	[dreg:$0x1] =	wrdreg $0xFFFFFFFF  }
0xad: {  	[dreg:$0x0] =	wrdreg $0x60  }
0xae: {  	[dreg:$0x2] =	wrdreg s24  }
0xaf: {  	[dreg:$0x3] =	wrdreg s2  }
0xb0: {  	[dreg:$0x4] =	wrdreg $0x9  }
0xb1: {  	_ =	task.clear_ibuf [dreg:s7], $0x5FFFF;
	_ =	strace $0x90000046  }
0xb2: {  	s29 =	simm.s32 $0x9;
	_ =	strace $0x80000048  }
0xb3: {  	_ =	swait.ge [sflag:s29], $0x1  }
0xb4: {  	[sflag:s29] =	ssyncadd.s32 $0xFFFFFFFF  }
0xb5: {  	_ =	strace $0x90000048  }
0xb6: {  	_ =	sfence  }
0xb7: {  	s30 =	sld [smem:$0x0];
	_ =	sdelay $0x2  }
0xb8: {  	s31 =	sshll.u32 s1, $0xD;
	s1 =	sshrl.u32 s1, $0x2  }
0xb9: {  	s3 =	sand.u32 $0x4000, s31;
	s1 =	sadd.s32 s1, s30  }
0xba: {  	s0 =	sor.u32 s3, s0;
	s1 =	sshll.u32 s1, $0x11  }
0xbb: {  	s0 =	sor.u32 s1, s0  }
0xbc: {  	s0 =	sadd.s32 $0x8F2B, s0  }
0xbd: {  	[sflag:s0] =	ssyncadd.remote.s32 $0x1  }
0xbe: {  	_ =	sfence.sel $0xFFFF  }
0xbf: {  	[dreg:$0x0] =	wrdreg $0xFFFFFFFF;
	(pc) =	sbr.abs _section_cstart, $3  }
0xc0: {  	[dreg:$0x1] =	wrdreg $0xFFFFFFFF  }
0xc1: {  	_ =	task.clear_ibuf [dreg:s7], $0x2FFFF;
	_ =	strace $0x9FFFFFFF  }
0xc2: {  	(tm) =	ssettm $0x7FFFFFFF  }
0xc3: {  	_ =	shalt  }
tec
execute0_lowered:
.L_overlay_start_1:
0x0: {  	(tag) =	ssettag $0x1  }
0x1: {  	s0 =	rddreg [dreg:$0x0];
	s1 =	srdreg.scid  }
0x2: {  	s3 =	stileid.u32;
	s2 =	rddreg [dreg:$0x1];
	s16 =	simm.s32 $0x80  }
0x3: {  	s28 =	simm.s32 $0x3;
	s29 =	simm.s32 $0x14B00;
	s30 =	simm.s32 $0x4  }
0x4: {  	s31 =	simm.s32 $0x5;
	s1 =	sand.u32 $0x1, s1;
	s4 =	sshll.u32 s3, $0x1  }
0x5: {  	s3 =	simm.s32 $0x0;
	s5 =	sadd.s32 $0x19AE00, s0;
	s7 =	sor.u32 s1, s4  }
0x6: {  	s6 =	sadd.s32 $0x19A600, s0;
	s1 =	ssub.s32 $0x2, s1;
	s8 =	smul.u32 $0x1900, s7  }
0x7: {  	[smem:$0x7FF] =	sst s3;
	s4 =	sadd.s32 $0x13C00, s0;
	s23 =	sshrl.u32 s1, $0x1  }
0x8: {  	_ =	strace $0x80000047;
	s1 =	ssub.s32 s1, s23;
	s9 =	sshrl.u32 s8, $0x3  }
0x9: {  	s10 =	smul.u32 $0xC8000, s7;
	s26 =	smax.u32 s1, $0x1;
	s0 =	sadd.s32 s9, s0  }
.Ltmp0:
0xa: {  	[dreg:$0x6] =	wrdreg s26;
	s24 =	sadd.s32 $0x7400, s0;
	(pc) =	sbr.rel .LBB2_1-.Ltmp0, $4  }
0xb: {  	s11 =	sor.u32 $0x80, s8;
	s25 =	sadd.s32 $0x1000, s0;
	[dreg:$0x3] =	wrdreg s24  }
0xc: {  	s1 =	simm.s32 $0x6;
	s0 =	sadd.s32 $0xD800, s0;
	[dreg:$0x4] =	wrdreg s25  }
0xd: {  	s26 =	simm.s32 $0x2;
	s9 =	simm.s32 $0x0;
	[dreg:$0x5] =	wrdreg s0  }
0xe: {  	s24 =	simm.s32 $0x12B00;
	s25 =	simm.s32 $0x1;
	s0 =	simm.s32 $0x18B00  }
.LBB2_8:
0xf: {  	s7 =	simm.s32 $0x7  }
0x10: {  	_ =	swait.ge [sflag:s7], $0x4000  }
0x11: {  	[sflag:s7] =	ssyncset.done $0x0  }
0x12: {  	s8 =	simm.s32 $0x8;
	[sflag:s7] =	ssyncadd.s32 $0xFFFFC000  }
0x13: {  	_ =	swait.ge [sflag:s8], $0x4000  }
0x14: {  	s9 =	rddreg [dreg:$0x7]  }
0x15: {  	s23 =	rddreg [dreg:$0x6];
	s9 =	sadd.s32 $0x1, s9  }
0x16: {  	p0 =	sne.s32 s9, s23  }
.Ltmp1:
0x17: {  	_ = 	snop;
	(pc) =	sbr.rel @!p0 .LBB2_9-.Ltmp1, $3  }
0x18: {  	_ =	sdelay $0x1  }
0x19: {  	[sflag:s8] =	ssyncset.done $0x0  }
0x1a: {  	[sflag:s8] =	ssyncadd.s32 $0xFFFFC000  }
.LBB2_1:
0x1b: {  	[dreg:$0x7] =	wrdreg s9  }
0x1c: {  	s7 =	rddreg [dreg:$0x3];
	s8 =	simm.s32 $0x9  }
0x1d: {  	[tilespmem:s3], [sflag:$0x9] =	stream.linear.gather [hbm4b:s7+s3], $0x1900, $0x38;
	[tilespmem:$0x1CB00] =	vst v63  }
0x1e: {  	_ =	swait.ge [sflag:s8], $0x1900  }
0x1f: {  	[sflag:s8] =	ssyncset.done $0x0  }
0x20: {  	s14 =	simm.s32 $0x1900;
	s13 =	rddreg [dreg:$0x4];
	[sflag:s8] =	ssyncadd.s32 $0xFFFFE700  }
0x21: {  	[tilespmem:s14], [sflag:$0x9] =	stream.linear.gather [hbm4b:s13+s3], $0x1900, $0x38;
	[tilespmem:$0x1CB00] =	vst v63  }
0x22: {  	_ =	swait.ge [sflag:s8], $0x1900  }
0x23: {  	[sflag:s8] =	ssyncset.done $0x0  }
0x24: {  	s12 =	simm.s32 $0x3200;
	s15 =	rddreg [dreg:$0x5];
	[sflag:s8] =	ssyncadd.s32 $0xFFFFE700  }
0x25: {  	[tilespmem:s12], [sflag:$0x9] =	stream.linear.gather [hbm4b:s15+s3], $0x1900, $0x38;
	[tilespmem:$0x1CB00] =	vst v63  }
0x26: {  	_ =	swait.ge [sflag:s8], $0x1900  }
0x27: {  	[sflag:s8] =	ssyncset.done $0x0  }
0x28: {  	s17 =	simm.s32 $0x4B00;
	[sflag:s8] =	ssyncadd.s32 $0xFFFFE700  }
0x29: {  	[tilespmem:s17], [sflag:$0x1] =	stream.indirect.gather [hbm4b:s4+s16], $0x80, s3, s16, $0xb8;
	[tilespmem:$0x1CB00] =	vst v63  }
0x2a: {  	s18 =	simm.s32 $0xCB00  }
0x2b: {  	[tilespmem:s18], [sflag:$0x2] =	stream.indirect.gather [hbm4b:s5+s16], $0x40, s14, s16, $0xb8;
	[tilespmem:$0x1CB00] =	vst v63  }
0x2c: {  	s19 =	simm.s32 $0x10B00  }
0x2d: {  	[tilespmem:s19], [sflag:$0x3] =	stream.indirect.gather [hbm4b:s6+s16], $0x40, s12, s16, $0xb8;
	[tilespmem:$0x1CB00] =	vst v63  }
0x2e: {  	s20 =	simm.s32 $0x8B00  }
0x2f: {  	[tilespmem:s20], [sflag:$0x4] =	stream.indirect.gather [hbm4b:s4+s16], $0x80, s16, s16, $0xb8;
	[tilespmem:$0x1CB00] =	vst v63  }
0x30: {  	s21 =	simm.s32 $0x1980;
	s22 =	simm.s32 $0xEB00  }
0x31: {  	[tilespmem:s22], [sflag:$0x5] =	stream.indirect.gather [hbm4b:s5+s16], $0x40, s21, s16, $0xb8;
	[tilespmem:$0x1CB00] =	vst v63  }
0x32: {  	s23 =	simm.s32 $0x3280;
	s21 =	simm.s32 $0x0  }
0x33: {  	[tilespmem:s24], [sflag:$0x6] =	stream.indirect.gather [hbm4b:s6+s16], $0x40, s23, s16, $0xb8;
	[tilespmem:$0x1CB00] =	vst v63  }
.LBB2_2:
0x34: {  	_ =	swait.ge [sflag:s25], $0x4000  }
0x35: {  	[sflag:s25] =	ssyncset.done $0x0  }
0x36: {  	[sflag:s25] =	ssyncadd.s32 $0xFFFFC000  }
0x37: {  	_ =	swait.ge [sflag:s26], $0x2000  }
0x38: {  	[sflag:s26] =	ssyncset.done $0x0  }
0x39: {  	[sflag:s26] =	ssyncadd.s32 $0xFFFFE000  }
0x3a: {  	_ =	swait.ge [sflag:s28], $0x2000  }
0x3b: {  	p0 =	seq.s32 s21, $0x0;
	[sflag:s28] =	ssyncset.done $0x0  }
0x3c: {  	s7 =	simm.s32 @!p0 $0x7;
	[sflag:s28] =	ssyncadd.s32 $0xFFFFE000  }
0x3d: {  	_ =	swait.ge @!p0 [sflag:s7], $0x4000  }
0x3e: {  	[sflag:s7] =	ssyncset.done @!p0 $0x0  }
0x3f: {  	s17 =	simm.s32 $0xCB80;
	[sflag:s7] =	ssyncadd.s32 @!p0 $0xFFFFC000  }
0x40: {  	s15 =	simm.s32 $0x4C00;
	v0 =	vld [tilespmem:s17+$0x40]  }
0x41: {  	s13 =	simm.s32 $0x10B80;
	v1 =	vld [tilespmem:s15+$0x80]  }
0x42: {  	v2 =	vld [tilespmem:s13+$0x40];
	_ =	sdelay $0x2  }
0x43: {  	v3 =	vunpack.i.l.bf16.f32 v0  }
0x44: {  	v1 =	vadd.f32 v1, v3  }
0x45: {  	v5 =	vld [tilespmem:s17+$0xFFFFFF80];
	v4 =	vunpack.i.l.bf16.f32 v2  }
0x46: {  	v6 =	vld [tilespmem:s13+$0xFFFFFF80];
	v1 =	vadd.f32 v1, v4  }
0x47: {  	s14 =	simm.s32 $0x14C00;
	v4 =	vld [tilespmem:s15+$0xFFFFFF00]  }
0x48: {  	v7 =	vld [tilespmem:s17+$0x0];
	[tilespmem:s14+$0x80] =	vst v1  }
0x49: {  	v1 =	vld [tilespmem:s15+$0xC0]  }
0x4a: {  	v8 =	vld [tilespmem:s15+$0xFFFFFF80]  }
0x4b: {  	v10 =	vunpack.i.l.bf16.f32 v5;
	v3 =	vld [tilespmem:s17+$0xFFFFFFC0]  }
0x4c: {  	v9 =	vld [tilespmem:s15+$0x0];
	v4 =	vadd.f32 v4, v10  }
0x4d: {  	v0 =	vunpack.i.u.bf16.f32 v0;
	v12 =	vunpack.i.l.bf16.f32 v6;
	v10 =	vld [tilespmem:s13+$0xFFFFFFC0]  }
0x4e: {  	v11 =	vld [tilespmem:s13+$0x0];
	v0 =	vadd.f32 v1, v0;
	v1 =	vadd.f32 v4, v12  }
0x4f: {  	v2 =	vunpack.i.u.bf16.f32 v2  }
0x50: {  	v4 =	vunpack.i.l.bf16.f32 v3;
	v0 =	vadd.f32 v0, v2;
	[tilespmem:s14+$0xFFFFFF00] =	vst v1  }
0x51: {  	v4 =	vadd.f32 v8, v4;
	v2 =	vunpack.i.l.bf16.f32 v7;
	v8 =	vld [tilespmem:s15+$0xFFFFFF40]  }
0x52: {  	v1 =	vadd.f32 v9, v2;
	v2 =	vunpack.i.l.bf16.f32 v10;
	[tilespmem:s14+$0xC0] =	vst v0  }
0x53: {  	v0 =	vadd.f32 v4, v2;
	v2 =	vunpack.i.l.bf16.f32 v11;
	v4 =	vld [tilespmem:s17+$0x50]  }
0x54: {  	v1 =	vadd.f32 v1, v2;
	v2 =	vld [tilespmem:s15+$0x90]  }
0x55: {  	v5 =	vunpack.i.u.bf16.f32 v5;
	[tilespmem:s14+$0xFFFFFF80] =	vst v0;
	v0 =	vld [tilespmem:s13+$0x50]  }
0x56: {  	[tilespmem:s14+$0x0] =	vst v1;
	v1 =	vld [tilespmem:s15+$0xFFFFFFC0];
	v5 =	vadd.f32 v8, v5  }
0x57: {  	v6 =	vunpack.i.u.bf16.f32 v6;
	v8 =	vld [tilespmem:s15+$0x40]  }
0x58: {  	v5 =	vadd.f32 v5, v6;
	v6 =	vunpack.i.l.bf16.f32 v4  }
0x59: {  	v2 =	vadd.f32 v2, v6  }
0x5a: {  	v3 =	vunpack.i.u.bf16.f32 v3;
	[tilespmem:s14+$0xFFFFFF40] =	vst v5;
	v5 =	vunpack.i.l.bf16.f32 v0  }
0x5b: {  	v6 =	vunpack.i.u.bf16.f32 v7;
	v1 =	vadd.f32 v1, v3;
	v7 =	vld [tilespmem:s17+$0xFFFFFF90];
	v2 =	vadd.f32 v2, v5  }
0x5c: {  	v3 =	vunpack.i.u.bf16.f32 v10;
	v5 =	vadd.f32 v8, v6;
	v8 =	vld [tilespmem:s15+$0xFFFFFF10]  }
0x5d: {  	v6 =	vunpack.i.u.bf16.f32 v11;
	v1 =	vadd.f32 v1, v3;
	v3 =	vld [tilespmem:s13+$0xFFFFFF90];
	[tilespmem:s14+$0x90] =	vst v2  }
0x5e: {  	v2 =	vadd.f32 v5, v6;
	v5 =	vld [tilespmem:s15+$0xD0]  }
0x5f: {  	[tilespmem:s14+$0xFFFFFFC0] =	vst v1  }
0x60: {  	v1 =	vld [tilespmem:s17+$0xFFFFFFD0]  }
0x61: {  	[tilespmem:s14+$0x40] =	vst v2;
	v9 =	vld [tilespmem:s15+$0xFFFFFF90];
	v6 =	vunpack.i.l.bf16.f32 v7  }
0x62: {  	v4 =	vunpack.i.u.bf16.f32 v4;
	v2 =	vld [tilespmem:s17+$0x10];
	v6 =	vadd.f32 v8, v6  }
0x63: {  	v8 =	vld [tilespmem:s15+$0x10];
	v10 =	vunpack.i.l.bf16.f32 v3;
	v4 =	vadd.f32 v5, v4  }
0x64: {  	v0 =	vunpack.i.u.bf16.f32 v0;
	v5 =	vld [tilespmem:s13+$0xFFFFFFD0];
	v6 =	vadd.f32 v6, v10  }
0x65: {  	v10 =	vld [tilespmem:s13+$0x10];
	v0 =	vadd.f32 v4, v0  }
0x66: {  	[tilespmem:s14+$0xFFFFFF10] =	vst v6  }
0x67: {  	v4 =	vunpack.i.l.bf16.f32 v1;
	v11 =	vunpack.i.l.bf16.f32 v2;
	v6 =	vld [tilespmem:s15+$0xFFFFFF50];
	[tilespmem:s14+$0xD0] =	vst v0  }
0x68: {  	v4 =	vadd.f32 v9, v4;
	v0 =	vadd.f32 v8, v11;
	v8 =	vld [tilespmem:s17+$0x60]  }
0x69: {  	v9 =	vunpack.i.l.bf16.f32 v5;
	v11 =	vld [tilespmem:s15+$0xA0]  }
0x6a: {  	s9 =	simm.s32 $0xCC80;
	v12 =	vld [tilespmem:s13+$0x60];
	v4 =	vadd.f32 v4, v9;
	v9 =	vunpack.i.l.bf16.f32 v10  }
0x6b: {  	s7 =	simm.s32 $0x4E00;
	v14 =	vld [tilespmem:s9+$0xFFFFFFC0];
	v0 =	vadd.f32 v0, v9  }
0x6c: {  	v16 =	vld [tilespmem:s7+$0xFFFFFF00];
	[tilespmem:s14+$0xFFFFFF90] =	vst v4;
	v4 =	vunpack.i.u.bf16.f32 v7  }
0x6d: {  	v17 =	vld [tilespmem:s9+$0x0];
	[tilespmem:s14+$0x10] =	vst v0;
	v0 =	vadd.f32 v6, v4;
	v4 =	vunpack.i.l.bf16.f32 v8  }
0x6e: {  	v3 =	vunpack.i.u.bf16.f32 v3;
	v7 =	vld [tilespmem:s15+$0xFFFFFFD0];
	v4 =	vadd.f32 v11, v4  }
0x6f: {  	v9 =	vld [tilespmem:s9+$0x40];
	v0 =	vadd.f32 v0, v3;
	v3 =	vunpack.i.l.bf16.f32 v12  }
0x70: {  	s8 =	simm.s32 $0x10C80;
	v6 =	vld [tilespmem:s15+$0x50];
	v3 =	vadd.f32 v4, v3  }
0x71: {  	v11 =	vld [tilespmem:s8+$0x40]  }
0x72: {  	v1 =	vunpack.i.u.bf16.f32 v1;
	[tilespmem:s14+$0xA0] =	vst v3;
	v3 =	vunpack.i.u.bf16.f32 v10;
	v10 =	vld [tilespmem:s7+$0x80]  }
0x73: {  	[tilespmem:s14+$0xFFFFFF50] =	vst v0;
	v0 =	vadd.f32 v7, v1;
	v1 =	vunpack.i.u.bf16.f32 v5;
	v5 =	vld [tilespmem:s15+$0xE0]  }
0x74: {  	v18 =	vld [tilespmem:s7+$0xFFFFFF80];
	v2 =	vunpack.i.u.bf16.f32 v2  }
0x75: {  	v22 =	vld [tilespmem:s7+$0x0];
	v2 =	vadd.f32 v6, v2;
	v0 =	vadd.f32 v0, v1  }
0x76: {  	v13 =	vunpack.i.l.bf16.f32 v9;
	v4 =	vld [tilespmem:s17+$0xFFFFFFA0]  }
0x77: {  	v6 =	vld [tilespmem:s15+$0xFFFFFF20];
	v1 =	vadd.f32 v2, v3;
	[tilespmem:s14+$0xFFFFFFD0] =	vst v0;
	v0 =	vunpack.i.u.bf16.f32 v8;
	v10 =	vadd.f32 v10, v13  }
0x78: {  	v15 =	vunpack.i.l.bf16.f32 v11;
	v3 =	vld [tilespmem:s13+$0xFFFFFFA0];
	v0 =	vadd.f32 v5, v0  }
0x79: {  	v7 =	vld [tilespmem:s17+$0xFFFFFFE0];
	[tilespmem:s14+$0x50] =	vst v1;
	v1 =	vunpack.i.u.bf16.f32 v12;
	v10 =	vadd.f32 v10, v15  }
0x7a: {  	s12 =	simm.s32 $0x14E00;
	v13 =	vld [tilespmem:s9+$0xFFFFFF80];
	v0 =	vadd.f32 v0, v1  }
0x7b: {  	v15 =	vld [tilespmem:s8+$0xFFFFFF80];
	[tilespmem:s12+$0x80] =	vst v10  }
0x7c: {  	[tilespmem:s14+$0xE0] =	vst v0;
	v10 =	vld [tilespmem:s7+$0xC0]  }
0x7d: {  	v1 =	vld [tilespmem:s17+$0x70]  }
0x7e: {  	v12 =	vld [tilespmem:s15+$0xB0]  }
0x7f: {  	v0 =	vld [tilespmem:s13+$0x70]  }
0x80: {  	v20 =	vunpack.i.l.bf16.f32 v4;
	v2 =	vld [tilespmem:s17+$0x20];
	v19 =	vunpack.i.l.bf16.f32 v13  }
0x81: {  	v59 =	vunpack.i.l.bf16.f32 v14;
	v6 =	vadd.f32 v6, v20;
	v16 =	vadd.f32 v16, v19;
	v19 =	vld [tilespmem:s8+$0xFFFFFFC0]  }
0x82: {  	v9 =	vunpack.i.u.bf16.f32 v9;
	v8 =	vld [tilespmem:s15+$0x20];
	v57 =	vunpack.i.l.bf16.f32 v3;
	v21 =	vunpack.i.l.bf16.f32 v1  }
0x83: {  	v5 =	vld [tilespmem:s15+$0xFFFFFFA0];
	v6 =	vadd.f32 v6, v57;
	v55 =	vunpack.i.l.bf16.f32 v15;
	v12 =	vadd.f32 v12, v21  }
0x84: {  	v16 =	vadd.f32 v16, v55;
	v9 =	vadd.f32 v10, v9;
	v10 =	vld [tilespmem:s13+$0x20];
	v56 =	vunpack.i.l.bf16.f32 v0  }
0x85: {  	v23 =	vld [tilespmem:s8+$0x0];
	v18 =	vadd.f32 v18, v59;
	v11 =	vunpack.i.u.bf16.f32 v11;
	[tilespmem:s14+$0xFFFFFF20] =	vst v6;
	v12 =	vadd.f32 v12, v56  }
0x86: {  	v58 =	vld [tilespmem:s13+$0xFFFFFFE0];
	v6 =	vunpack.i.l.bf16.f32 v2;
	[tilespmem:s12+$0xFFFFFF00] =	vst v16;
	v61 =	vunpack.i.l.bf16.f32 v19;
	v9 =	vadd.f32 v9, v11  }
0x87: {  	v6 =	vadd.f32 v8, v6;
	v16 =	vunpack.i.l.bf16.f32 v7;
	v8 =	vadd.f32 v18, v61;
	[tilespmem:s14+$0xB0] =	vst v12;
	v12 =	vld [tilespmem:s7+$0xFFFFFF40]  }
0x88: {  	v5 =	vadd.f32 v5, v16;
	v16 =	vld [tilespmem:s15+$0xFFFFFF60];
	v11 =	vunpack.i.l.bf16.f32 v17;
	[tilespmem:s12+$0xC0] =	vst v9  }
0x89: {  	v11 =	vadd.f32 v22, v11;
	[tilespmem:s12+$0xFFFFFF80] =	vst v8;
	v18 =	vld [tilespmem:s9+$0x50];
	v8 =	vunpack.i.l.bf16.f32 v10  }
0x8a: {  	v9 =	vunpack.i.l.bf16.f32 v23;
	v6 =	vadd.f32 v6, v8;
	v8 =	vld [tilespmem:s7+$0xFFFFFFC0]  }
0x8b: {  	v13 =	vunpack.i.u.bf16.f32 v13;
	v9 =	vadd.f32 v11, v9;
	v11 =	vunpack.i.l.bf16.f32 v58;
	v62 =	vld [tilespmem:s7+$0x90]  }
0x8c: {  	v5 =	vadd.f32 v5, v11;
	v11 =	vadd.f32 v12, v13;
	v12 =	vld [tilespmem:s8+$0x50]  }
0x8d: {  	v4 =	vunpack.i.u.bf16.f32 v4;
	v60 =	vld [tilespmem:s15+$0xF0];
	[tilespmem:s12+$0x0] =	vst v9;
	v13 =	vunpack.i.u.bf16.f32 v15  }
0x8e: {  	v4 =	vadd.f32 v16, v4;
	[tilespmem:s14+$0xFFFFFFA0] =	vst v5;
	v9 =	vld [tilespmem:s7+$0x40];
	v5 =	vadd.f32 v11, v13;
	v13 =	vunpack.i.u.bf16.f32 v14  }
0x8f: {  	v3 =	vunpack.i.u.bf16.f32 v3;
	[tilespmem:s14+$0x20] =	vst v6;
	v6 =	vunpack.i.l.bf16.f32 v18;
	v11 =	vld [tilespmem:s15+$0xFFFFFFE0];
	v8 =	vadd.f32 v8, v13  }
0x90: {  	v3 =	vadd.f32 v4, v3;
	v13 =	vunpack.i.u.bf16.f32 v19;
	[tilespmem:s12+$0xFFFFFF40] =	vst v5;
	v5 =	vadd.f32 v62, v6;
	v6 =	vld [tilespmem:s15+$0x60]  }
0x91: {  	v4 =	vld [tilespmem:s9+$0xFFFFFF90];
	v14 =	vunpack.i.l.bf16.f32 v12;
	v8 =	vadd.f32 v8, v13  }
0x92: {  	[tilespmem:s14+$0xFFFFFF60] =	vst v3;
	v15 =	vunpack.i.u.bf16.f32 v17;
	v16 =	vld [tilespmem:s7+$0xFFFFFF10];
	v5 =	vadd.f32 v5, v14  }
0x93: {  	v9 =	vadd.f32 v9, v15;
	v3 =	vld [tilespmem:s8+$0xFFFFFF90];
	[tilespmem:s12+$0xFFFFFFC0] =	vst v8  }
0x94: {  	v14 =	vunpack.i.u.bf16.f32 v23;
	v8 =	vld [tilespmem:s15+$0xFFFFFF30];
	[tilespmem:s12+$0x90] =	vst v5  }
0x95: {  	v9 =	vadd.f32 v9, v14;
	v13 =	vld [tilespmem:s7+$0xD0]  }
0x96: {  	v5 =	vld [tilespmem:s17+$0xFFFFFFB0]  }
0x97: {  	v15 =	vld [tilespmem:s9+$0xFFFFFFD0];
	[tilespmem:s12+$0x40] =	vst v9;
	v14 =	vunpack.i.l.bf16.f32 v4  }
0x98: {  	v7 =	vunpack.i.u.bf16.f32 v7;
	v9 =	vadd.f32 v16, v14;
	v14 =	vld [tilespmem:s9+$0x10]  }
0x99: {  	v17 =	vunpack.i.u.bf16.f32 v18;
	v7 =	vadd.f32 v11, v7;
	v11 =	vunpack.i.l.bf16.f32 v3;
	v16 =	vld [tilespmem:s7+$0xFFFFFF90]  }
0x9a: {  	v18 =	vunpack.i.u.bf16.f32 v58;
	v9 =	vadd.f32 v9, v11;
	v11 =	vld [tilespmem:s7+$0x10];
	v13 =	vadd.f32 v13, v17  }
0x9b: {  	v1 =	vunpack.i.u.bf16.f32 v1;
	v12 =	vunpack.i.u.bf16.f32 v12;
	v7 =	vadd.f32 v7, v18;
	v17 =	vld [tilespmem:s8+$0xFFFFFFD0]  }
0x9c: {  	v2 =	vunpack.i.u.bf16.f32 v2;
	v1 =	vadd.f32 v60, v1;
	[tilespmem:s12+$0xFFFFFF10] =	vst v9;
	v9 =	vld [tilespmem:s8+$0x10];
	v12 =	vadd.f32 v13, v12  }
0x9d: {  	v0 =	vunpack.i.u.bf16.f32 v0;
	v2 =	vadd.f32 v6, v2;
	[tilespmem:s14+$0xFFFFFFE0] =	vst v7;
	v6 =	vld [tilespmem:s7+$0xFFFFFF50]  }
0x9e: {  	v18 =	vadd.f32 v1, v0;
	v7 =	vunpack.i.u.bf16.f32 v10;
	[tilespmem:s12+$0xD0] =	vst v12;
	v12 =	vld [tilespmem:s17+$0xFFFFFFF0]  }
0x9f: {  	v2 =	vadd.f32 v2, v7;
	v10 =	vunpack.i.l.bf16.f32 v15;
	v1 =	vunpack.i.l.bf16.f32 v5;
	v13 =	vld [tilespmem:s9+$0x60]  }
0xa0: {  	v63 =	vadd.f32 v8, v1;
	v7 =	vunpack.i.l.bf16.f32 v14;
	v10 =	vadd.f32 v16, v10;
	v16 =	vld [tilespmem:s7+$0xA0]  }
0xa1: {  	v7 =	vadd.f32 v11, v7;
	v11 =	vunpack.i.l.bf16.f32 v17;
	v8 =	vunpack.i.u.bf16.f32 v17;
	v17 =	vld [tilespmem:s13+$0xFFFFFFB0]  }
0xa2: {  	v4 =	vunpack.i.u.bf16.f32 v4;
	[tilespmem:s14+$0x60] =	vst v2;
	v2 =	vadd.f32 v10, v11;
	v10 =	vunpack.i.l.bf16.f32 v9;
	v11 =	vld [tilespmem:s8+$0x60]  }
0xa3: {  	v4 =	vadd.f32 v6, v4;
	v6 =	vadd.f32 v7, v10;
	v10 =	vld [tilespmem:s17+$0x30]  }
0xa4: {  	v3 =	vunpack.i.u.bf16.f32 v3;
	[tilespmem:s12+$0xFFFFFF90] =	vst v2;
	v2 =	vld [tilespmem:s15+$0xFFFFFFB0]  }
0xa5: {  	v3 =	vadd.f32 v4, v3;
	v4 =	vld [tilespmem:s7+$0xFFFFFFD0];
	[tilespmem:s12+$0x10] =	vst v6;
	v6 =	vunpack.i.l.bf16.f32 v13  }
0xa6: {  	v7 =	vld [tilespmem:s7+$0x50];
	v6 =	vadd.f32 v16, v6  }
0xa7: {  	[tilespmem:s12+$0xFFFFFF50] =	vst v3;
	v3 =	vunpack.i.l.bf16.f32 v11;
	v16 =	vld [tilespmem:s15+$0x30]  }
0xa8: {  	v19 =	vld [tilespmem:s9+$0xFFFFFFA0];
	v3 =	vadd.f32 v6, v3  }
0xa9: {  	v0 =	vunpack.i.u.bf16.f32 v5;
	v1 =	vunpack.i.u.bf16.f32 v15;
	v5 =	vld [tilespmem:s7+$0xFFFFFF20]  }
0xaa: {  	v6 =	vunpack.i.u.bf16.f32 v14;
	v14 =	vld [tilespmem:s8+$0xFFFFFFA0];
	v4 =	vadd.f32 v4, v1;
	[tilespmem:s12+$0xA0] =	vst v3  }
0xab: {  	[tilespmem:s14+$0xF0] =	vst v18;
	v18 =	vunpack.i.l.bf16.f32 v17;
	v3 =	vunpack.i.u.bf16.f32 v9;
	v6 =	vadd.f32 v7, v6;
	v9 =	vld [tilespmem:s7+$0xE0]  }
0xac: {  	v1 =	vunpack.i.u.bf16.f32 v12;
	v7 =	vunpack.i.l.bf16.f32 v12;
	v4 =	vadd.f32 v4, v8  }
0xad: {  	v12 =	vunpack.i.l.bf16.f32 v10;
	v8 =	vunpack.i.l.bf16.f32 v19;
	v3 =	vadd.f32 v6, v3;
	v6 =	vld [tilespmem:s13+$0xFFFFFFF0]  }
0xae: {  	v7 =	vadd.f32 v2, v7;
	v2 =	vunpack.i.u.bf16.f32 v10;
	v15 =	vadd.f32 v5, v8;
	[tilespmem:s12+$0xFFFFFFD0] =	vst v4;
	v8 =	vld [tilespmem:s13+$0x30]  }
0xaf: {  	v10 =	vadd.f32 v16, v12;
	v16 =	vunpack.i.l.bf16.f32 v14;
	v12 =	vld [tilespmem:s9+$0xFFFFFFE0];
	[tilespmem:s12+$0x50] =	vst v3;
	v3 =	vunpack.i.u.bf16.f32 v13  }
0xb0: {  	v5 =	vunpack.i.u.bf16.f32 v14;
	v14 =	vadd.f32 v15, v16;
	v13 =	vld [tilespmem:s9+$0x20];
	v9 =	vadd.f32 v9, v3  }
0xb1: {  	s23 =	sshll.u32 s21, $0x8;
	s19 =	simm.s32 $0x5000;
	s18 =	simm.s32 $0xCC80;
	v11 =	vunpack.i.u.bf16.f32 v11;
	v4 =	vunpack.i.u.bf16.f32 v19;
	v15 =	vld [tilespmem:s7+$0xFFFFFFA0];
	v3 =	vunpack.i.u.bf16.f32 v17  }
0xb2: {  	s20 =	simm.s32 $0x10C80;
	s17 =	simm.s32 $0x14E00;
	s13 =	simm.s32 $0x4;
	v16 =	vld [tilespmem:s7+$0x20];
	[tilespmem:s12+$0xFFFFFF20] =	vst v14;
	v14 =	vunpack.i.l.bf16.f32 v6;
	v17 =	vadd.f32 v9, v11;
	v11 =	vadd.f32 v63, v18  }
.LBB2_3:
0xb3: {  	v18 =	vld [tilespmem:s19+$0x80];
	s9 =	sadd.s32 $0x100, s9;
	v9 =	vunpack.i.u.bf16.f32 v6;
	v14 =	vadd.f32 v7, v14;
	v7 =	vunpack.i.l.bf16.f32 v8  }
0xb4: {  	v19 =	vld [tilespmem:s9+$0x40];
	v6 =	vunpack.i.u.bf16.f32 v12;
	v12 =	vunpack.i.l.bf16.f32 v12;
	[tilespmem:s12+$0xE0] =	vst v17;
	v10 =	vadd.f32 v10, v7  }
0xb5: {  	v8 =	vunpack.i.u.bf16.f32 v8;
	v7 =	vunpack.i.u.bf16.f32 v13;
	v13 =	vunpack.i.l.bf16.f32 v13;
	v17 =	vld [tilespmem:s18+$0x70];
	[tilespmem:s14+$0xFFFFFF30] =	vst v11  }
0xb6: {  	s13 =	sadd.s32 $0x4, s13;
	v11 =	vadd.f32 v15, v12;
	v12 =	vld [tilespmem:s7+$0xB0];
	[tilespmem:s14+$0xFFFFFFB0] =	vst v14  }
0xb7: {  	s20 =	sadd.s32 $0x100, s20;
	p1 =	slt.u32 s13, $0x7C;
	v13 =	vadd.f32 v16, v13;
	v14 =	vld [tilespmem:s8+$0x70];
	[tilespmem:s14+$0x30] =	vst v10  }
0xb8: {  	v10 =	vld [tilespmem:s20+$0x40]  }
0xb9: {  	v15 =	vld [tilespmem:s9+$0xFFFFFFC0]  }
0xba: {  	v16 =	vld [tilespmem:s9+$0x0];
	v20 =	vunpack.i.l.bf16.f32 v17  }
0xbb: {  	v22 =	vunpack.i.l.bf16.f32 v19;
	v21 =	vld [tilespmem:s9+$0xFFFFFF80];
	v12 =	vadd.f32 v12, v20  }
0xbc: {  	v18 =	vadd.f32 v18, v22;
	v20 =	vld [tilespmem:s19+$0xFFFFFF00];
	v22 =	vunpack.i.l.bf16.f32 v14  }
0xbd: {  	v23 =	vld [tilespmem:s19+$0xFFFFFF80];
	v24 =	vunpack.i.l.bf16.f32 v10;
	v12 =	vadd.f32 v12, v22  }
0xbe: {  	v22 =	vunpack.i.u.bf16.f32 v15;
	v15 =	vunpack.i.l.bf16.f32 v15;
	v25 =	vld [tilespmem:s19+$0x0];
	v18 =	vadd.f32 v18, v24  }
0xbf: {  	s12 =	sadd.s32 $0x200, s12;
	v24 =	vld [tilespmem:s20+$0xFFFFFF80];
	v26 =	vunpack.i.u.bf16.f32 v16;
	v16 =	vunpack.i.l.bf16.f32 v16;
	[tilespmem:s17+$0xB0] =	vst v12  }
0xc0: {  	v12 =	vunpack.i.u.bf16.f32 v21;
	v21 =	vunpack.i.l.bf16.f32 v21;
	[tilespmem:s12+$0x80] =	vst v18;
	v18 =	vld [tilespmem:s7+$0xF0]  }
0xc1: {  	v20 =	vadd.f32 v20, v21;
	v21 =	vld [tilespmem:s19+$0xC0]  }
0xc2: {  	v27 =	vld [tilespmem:s20+$0xFFFFFFC0];
	v15 =	vadd.f32 v23, v15  }
0xc3: {  	v23 =	vld [tilespmem:s20+$0x0];
	v16 =	vadd.f32 v25, v16  }
0xc4: {  	v17 =	vunpack.i.u.bf16.f32 v17;
	v25 =	vunpack.i.u.bf16.f32 v24;
	v24 =	vunpack.i.l.bf16.f32 v24;
	v28 =	vld [tilespmem:s8+$0xFFFFFFE0]  }
0xc5: {  	v19 =	vunpack.i.u.bf16.f32 v19;
	v20 =	vadd.f32 v20, v24;
	v24 =	vld [tilespmem:s8+$0x20];
	v17 =	vadd.f32 v18, v17  }
0xc6: {  	v14 =	vunpack.i.u.bf16.f32 v14;
	v18 =	vadd.f32 v21, v19;
	v19 =	vld [tilespmem:s7+$0xFFFFFF60]  }
0xc7: {  	v10 =	vunpack.i.u.bf16.f32 v10;
	[tilespmem:s12+$0xFFFFFF00] =	vst v20;
	v20 =	vunpack.i.l.bf16.f32 v27;
	v14 =	vadd.f32 v17, v14;
	v17 =	vld [tilespmem:s15+$0xFFFFFF70]  }
0xc8: {  	v21 =	vld [tilespmem:s19+$0xFFFFFF40];
	v15 =	vadd.f32 v15, v20;
	v20 =	vunpack.i.l.bf16.f32 v23;
	v10 =	vadd.f32 v18, v10  }
0xc9: {  	v18 =	vunpack.i.u.bf16.f32 v27;
	v23 =	vunpack.i.u.bf16.f32 v23;
	v16 =	vadd.f32 v16, v20;
	[tilespmem:s17+$0xF0] =	vst v14;
	v14 =	vld [tilespmem:s15+$0xFFFFFFF0]  }
0xca: {  	v20 =	vunpack.i.l.bf16.f32 v28;
	[tilespmem:s12+$0xC0] =	vst v10;
	v10 =	vunpack.i.u.bf16.f32 v28;
	v27 =	vunpack.i.l.bf16.f32 v24;
	v28 =	vld [tilespmem:s15+$0x70];
	s15 =	smov.u32 s7;
	s7 =	smov.u32 s19  }
0xcb: {  	v11 =	vadd.f32 v11, v20;
	v20 =	vunpack.i.u.bf16.f32 v24;
	[tilespmem:s12+$0xFFFFFF80] =	vst v15;
	v15 =	vld [tilespmem:s9+$0x50];
	v13 =	vadd.f32 v13, v27  }
0xcc: {  	v4 =	vadd.f32 v19, v4;
	[tilespmem:s12+$0x0] =	vst v16;
	v16 =	vld [tilespmem:s19+$0x90];
	v0 =	vadd.f32 v17, v0  }
0xcd: {  	v12 =	vadd.f32 v21, v12;
	v17 =	vld [tilespmem:s20+$0x50];
	[tilespmem:s17+$0xFFFFFFA0] =	vst v11  }
0xce: {  	v4 =	vadd.f32 v4, v5;
	v11 =	vld [tilespmem:s19+$0xFFFFFFC0];
	[tilespmem:s17+$0x20] =	vst v13;
	v1 =	vadd.f32 v14, v1  }
0xcf: {  	v5 =	vadd.f32 v12, v25;
	v12 =	vld [tilespmem:s19+$0x40];
	v2 =	vadd.f32 v28, v2  }
0xd0: {  	v0 =	vadd.f32 v0, v3;
	v13 =	vunpack.i.l.bf16.f32 v15;
	[tilespmem:s17+$0xFFFFFF60] =	vst v4;
	v4 =	vld [tilespmem:s15+$0xFFFFFFE0];
	v1 =	vadd.f32 v1, v9  }
0xd1: {  	[tilespmem:s12+$0xFFFFFF40] =	vst v5;
	v3 =	vadd.f32 v16, v13;
	v5 =	vld [tilespmem:s15+$0x60];
	v2 =	vadd.f32 v2, v8  }
0xd2: {  	v8 =	vld [tilespmem:s9+$0xFFFFFF90];
	v9 =	vunpack.i.l.bf16.f32 v17;
	[tilespmem:s14+$0xFFFFFF70] =	vst v0  }
0xd3: {  	v0 =	vld [tilespmem:s19+$0xFFFFFF10];
	v11 =	vadd.f32 v11, v22;
	v3 =	vadd.f32 v3, v9;
	[tilespmem:s14+$0xFFFFFFF0] =	vst v1  }
0xd4: {  	v1 =	vld [tilespmem:s20+$0xFFFFFF90];
	v9 =	vadd.f32 v12, v26;
	[tilespmem:s14+$0x70] =	vst v2;
	s14 =	smov.u32 s17;
	s17 =	smov.u32 s12  }
0xd5: {  	v2 =	vadd.f32 v11, v18;
	[tilespmem:s12+$0x90] =	vst v3;
	v3 =	vld [tilespmem:s18+$0xFFFFFFB0];
	v4 =	vadd.f32 v4, v6  }
0xd6: {  	v6 =	vadd.f32 v9, v23;
	v9 =	vld [tilespmem:s19+$0xD0];
	v5 =	vadd.f32 v5, v7  }
0xd7: {  	v7 =	vunpack.i.u.bf16.f32 v8;
	v8 =	vunpack.i.l.bf16.f32 v8;
	[tilespmem:s12+$0xFFFFFFC0] =	vst v2;
	v2 =	vld [tilespmem:s15+$0xFFFFFF30];
	v4 =	vadd.f32 v4, v10  }
0xd8: {  	v0 =	vadd.f32 v0, v8;
	v8 =	vld [tilespmem:s9+$0xFFFFFFD0];
	[tilespmem:s12+$0x40] =	vst v6;
	v5 =	vadd.f32 v5, v20  }
0xd9: {  	v6 =	vunpack.i.u.bf16.f32 v1;
	v1 =	vunpack.i.l.bf16.f32 v1;
	v10 =	vld [tilespmem:s9+$0x10];
	[tilespmem:s14+$0xFFFFFFE0] =	vst v4  }
0xda: {  	v1 =	vadd.f32 v0, v1;
	v4 =	vld [tilespmem:s19+$0xFFFFFF90];
	v0 =	vunpack.i.u.bf16.f32 v15;
	v11 =	vunpack.i.l.bf16.f32 v3;
	[tilespmem:s14+$0x60] =	vst v5  }
0xdb: {  	v5 =	vld [tilespmem:s19+$0x10];
	v9 =	vadd.f32 v9, v0;
	v0 =	vunpack.i.u.bf16.f32 v3  }
0xdc: {  	v3 =	vunpack.i.u.bf16.f32 v17;
	[tilespmem:s12+$0xFFFFFF10] =	vst v1;
	v1 =	vld [tilespmem:s20+$0xFFFFFFD0];
	v11 =	vadd.f32 v2, v11  }
0xdd: {  	v12 =	vunpack.i.u.bf16.f32 v8;
	v2 =	vunpack.i.l.bf16.f32 v8;
	v8 =	vld [tilespmem:s20+$0x10];
	v3 =	vadd.f32 v9, v3  }
0xde: {  	v9 =	vld [tilespmem:s19+$0xFFFFFF50];
	v13 =	vunpack.i.u.bf16.f32 v10;
	v10 =	vunpack.i.l.bf16.f32 v10  }
0xdf: {  	v2 =	vadd.f32 v4, v2;
	[tilespmem:s12+$0xD0] =	vst v3;
	v3 =	vld [tilespmem:s18+$0xFFFFFFF0]  }
0xe0: {  	v4 =	vadd.f32 v5, v10;
	v14 =	vld [tilespmem:s9+$0x60]  }
0xe1: {  	v5 =	vunpack.i.u.bf16.f32 v1;
	v1 =	vunpack.i.l.bf16.f32 v1;
	v10 =	vld [tilespmem:s19+$0xA0]  }
0xe2: {  	v1 =	vadd.f32 v2, v1;
	v15 =	vunpack.i.u.bf16.f32 v8;
	v2 =	vunpack.i.l.bf16.f32 v8;
	v16 =	vld [tilespmem:s20+$0x60]  }
0xe3: {  	v7 =	vadd.f32 v9, v7;
	v2 =	vadd.f32 v4, v2;
	v4 =	vld [tilespmem:s18+$0x30];
	s18 =	smov.u32 s9  }
0xe4: {  	[tilespmem:s12+$0xFFFFFF90] =	vst v1;
	v1 =	vunpack.i.u.bf16.f32 v3;
	v3 =	vunpack.i.l.bf16.f32 v3;
	v8 =	vld [tilespmem:s15+$0xFFFFFFB0]  }
0xe5: {  	v6 =	vadd.f32 v7, v6;
	v9 =	vld [tilespmem:s19+$0xFFFFFFD0];
	[tilespmem:s12+$0x10] =	vst v2;
	v2 =	vunpack.i.l.bf16.f32 v14  }
0xe6: {  	v17 =	vld [tilespmem:s19+$0x50];
	v2 =	vadd.f32 v10, v2  }
0xe7: {  	[tilespmem:s12+$0xFFFFFF50] =	vst v6;
	v6 =	vunpack.i.l.bf16.f32 v16;
	v10 =	vld [tilespmem:s15+$0x30]  }
0xe8: {  	v18 =	vld [tilespmem:s9+$0xFFFFFFA0];
	v6 =	vadd.f32 v2, v6;
	v2 =	vunpack.i.u.bf16.f32 v4;
	v4 =	vunpack.i.l.bf16.f32 v4  }
0xe9: {  	v19 =	vld [tilespmem:s19+$0xFFFFFF20];
	v7 =	vadd.f32 v8, v3  }
0xea: {  	v3 =	vld [tilespmem:s20+$0xFFFFFFA0];
	v8 =	vadd.f32 v9, v12;
	[tilespmem:s12+$0xA0] =	vst v6  }
0xeb: {  	v6 =	vadd.f32 v17, v13;
	v9 =	vld [tilespmem:s19+$0xE0]  }
0xec: {  	v5 =	vadd.f32 v8, v5;
	v17 =	vld [tilespmem:s8+$0xFFFFFFB0];
	v10 =	vadd.f32 v10, v4  }
0xed: {  	v4 =	vunpack.i.u.bf16.f32 v18;
	v8 =	vunpack.i.l.bf16.f32 v18;
	v13 =	vadd.f32 v6, v15;
	v6 =	vld [tilespmem:s8+$0xFFFFFFF0]  }
.Ltmp2:
0xee: {  	v15 =	vadd.f32 v19, v8;
	[tilespmem:s12+$0xFFFFFFD0] =	vst v5;
	v8 =	vld [tilespmem:s8+$0x30];
	s8 =	smov.u32 s20;
	(pc) =	sbr.rel @p1 .LBB2_3-.Ltmp2, $4  }
0xef: {  	v14 =	vunpack.i.u.bf16.f32 v14;
	v5 =	vunpack.i.u.bf16.f32 v3;
	v3 =	vunpack.i.l.bf16.f32 v3;
	v12 =	vld [tilespmem:s9+$0xFFFFFFE0];
	[tilespmem:s12+$0x50] =	vst v13  }
0xf0: {  	v18 =	vadd.f32 v15, v3;
	v13 =	vld [tilespmem:s9+$0x20];
	v9 =	vadd.f32 v9, v14  }
0xf1: {  	v14 =	vunpack.i.u.bf16.f32 v16;
	v15 =	vld [tilespmem:s19+$0xFFFFFFA0];
	v3 =	vunpack.i.u.bf16.f32 v17;
	v19 =	vunpack.i.l.bf16.f32 v17  }
0xf2: {  	s19 =	sadd.s32 $0x200, s19;
	[tilespmem:s12+$0xFFFFFF20] =	vst v18;
	v16 =	vld [tilespmem:s7+$0x20];
	v17 =	vadd.f32 v9, v14;
	v11 =	vadd.f32 v11, v19;
	v14 =	vunpack.i.l.bf16.f32 v6  }
0xf3: {  	v9 =	vld [tilespmem:s8+$0xFFFFFFE0]  }
0xf4: {  	v18 =	vld [tilespmem:s8+$0x20];
	_ =	sdelay $0x1  }
0xf5: {  	v19 =	vunpack.i.l.bf16.f32 v12  }
0xf6: {  	v20 =	vunpack.i.l.bf16.f32 v13;
	v15 =	vadd.f32 v15, v19  }
0xf7: {  	v16 =	vadd.f32 v16, v20;
	v19 =	vunpack.i.l.bf16.f32 v9  }
0xf8: {  	v51 =	vunpack.i.l.bf16.f32 v18;
	v15 =	vadd.f32 v15, v19;
	v19 =	vld [tilespmem:s7+$0xFFFFFF60]  }
0xf9: {  	v16 =	vadd.f32 v16, v51  }
0xfa: {  	[tilespmem:s17+$0xFFFFFFA0] =	vst v15  }
0xfb: {  	[tilespmem:s17+$0x20] =	vst v16;
	v15 =	vld [tilespmem:s7+$0xFFFFFFE0]  }
0xfc: {  	v16 =	vld [tilespmem:s7+$0x60]  }
0xfd: {  	v4 =	vadd.f32 v19, v4  }
0xfe: {  	[tilespmem:s12+$0xE0] =	vst v17  }
0xff: {  	v12 =	vunpack.i.u.bf16.f32 v12;
	v17 =	vld [tilespmem:s18+$0x70];
	v4 =	vadd.f32 v4, v5  }
0x100: {  	v13 =	vunpack.i.u.bf16.f32 v13;
	v5 =	vadd.f32 v15, v12;
	v12 =	vld [tilespmem:s7+$0xB0]  }
0x101: {  	v9 =	vunpack.i.u.bf16.f32 v9;
	v13 =	vadd.f32 v16, v13;
	v15 =	vld [tilespmem:s8+$0x70];
	[tilespmem:s17+$0xFFFFFF60] =	vst v4  }
0x102: {  	v16 =	vunpack.i.u.bf16.f32 v18;
	v4 =	vadd.f32 v5, v9;
	v5 =	vld [tilespmem:s18+$0xFFFFFFB0]  }
0x103: {  	v9 =	vadd.f32 v13, v16;
	v13 =	vld [tilespmem:s7+$0xFFFFFF30]  }
0x104: {  	v52 =	vld [tilespmem:s8+$0xFFFFFFB0];
	[tilespmem:s17+$0xFFFFFFE0] =	vst v4  }
0x105: {  	[tilespmem:s17+$0x60] =	vst v9;
	v4 =	vld [tilespmem:s18+$0xFFFFFFF0]  }
0x106: {  	v16 =	vunpack.i.l.bf16.f32 v17;
	v9 =	vld [tilespmem:s18+$0x30]  }
0x107: {  	v18 =	vld [tilespmem:s7+$0xFFFFFFB0];
	v12 =	vadd.f32 v12, v16  }
0x108: {  	v7 =	vadd.f32 v7, v14;
	v16 =	vld [tilespmem:s7+$0x30];
	v19 =	vunpack.i.l.bf16.f32 v15  }
0x109: {  	v14 =	vunpack.i.l.bf16.f32 v8;
	[tilespmem:s14+$0xFFFFFF30] =	vst v11;
	v12 =	vadd.f32 v12, v19;
	v19 =	vld [tilespmem:s8+$0xFFFFFFF0]  }
0x10a: {  	v10 =	vadd.f32 v10, v14;
	[tilespmem:s14+$0xFFFFFFB0] =	vst v7;
	v21 =	vld [tilespmem:s8+$0x30]  }
0x10b: {  	v7 =	vld [tilespmem:s15+$0xFFFFFF70];
	[tilespmem:s17+$0xB0] =	vst v12;
	v12 =	vunpack.i.l.bf16.f32 v5  }
0x10c: {  	[tilespmem:s14+$0x30] =	vst v10;
	v10 =	vld [tilespmem:s15+$0xFFFFFFF0];
	v12 =	vadd.f32 v13, v12;
	v13 =	vunpack.i.l.bf16.f32 v4  }
0x10d: {  	v11 =	vld [tilespmem:s7+$0xF0];
	v14 =	vunpack.i.l.bf16.f32 v9;
	v13 =	vadd.f32 v18, v13;
	v18 =	vunpack.i.l.bf16.f32 v52  }
0x10e: {  	v14 =	vadd.f32 v16, v14;
	v12 =	vadd.f32 v12, v18;
	v16 =	vunpack.i.l.bf16.f32 v19  }
0x10f: {  	v13 =	vadd.f32 v13, v16;
	v16 =	vunpack.i.l.bf16.f32 v21  }
0x110: {  	v18 =	vld [tilespmem:s15+$0x70];
	v14 =	vadd.f32 v14, v16;
	[tilespmem:s17+$0xFFFFFF30] =	vst v12  }
0x111: {  	v0 =	vadd.f32 v7, v0;
	v12 =	vunpack.i.u.bf16.f32 v17;
	[tilespmem:s17+$0xFFFFFFB0] =	vst v13;
	v13 =	vld [tilespmem:s7+$0xFFFFFF70]  }
0x112: {  	v1 =	vadd.f32 v10, v1;
	v11 =	vadd.f32 v11, v12;
	[tilespmem:s17+$0x30] =	vst v14;
	v12 =	vld [tilespmem:s7+$0xFFFFFFF0]  }
0x113: {  	v6 =	vunpack.i.u.bf16.f32 v6;
	v8 =	vunpack.i.u.bf16.f32 v8;
	v7 =	vld [tilespmem:s7+$0x70]  }
0x114: {  	v0 =	vadd.f32 v0, v3;
	v1 =	vadd.f32 v1, v6;
	v3 =	vunpack.i.u.bf16.f32 v5  }
0x115: {  	v5 =	vunpack.i.u.bf16.f32 v52;
	v14 =	vunpack.i.u.bf16.f32 v15;
	v2 =	vadd.f32 v18, v2  }
0x116: {  	[tilespmem:s14+$0xFFFFFF70] =	vst v0;
	v4 =	vunpack.i.u.bf16.f32 v4;
	v10 =	vadd.f32 v11, v14;
	v3 =	vadd.f32 v13, v3  }
0x117: {  	[tilespmem:s14+$0xFFFFFFF0] =	vst v1;
	v0 =	vunpack.i.u.bf16.f32 v9;
	v2 =	vadd.f32 v2, v8;
	v4 =	vadd.f32 v12, v4  }
0x118: {  	v1 =	vunpack.i.u.bf16.f32 v19;
	[tilespmem:s17+$0xF0] =	vst v10;
	v0 =	vadd.f32 v7, v0;
	v3 =	vadd.f32 v3, v5  }
0x119: {  	s20 =	sshll.u32 s21, $0xF;
	[tilespmem:s14+$0x70] =	vst v2;
	v2 =	vunpack.i.u.bf16.f32 v21;
	v1 =	vadd.f32 v4, v1  }
0x11a: {  	s7 =	sadd.s32 s10, s20;
	v0 =	vadd.f32 v0, v2;
	[tilespmem:s17+$0xFFFFFF70] =	vst v3  }
0x11b: {  	s7 =	sshrl.u32 s7, $0x3;
	[tilespmem:s17+$0xFFFFFFF0] =	vst v1  }
0x11c: {  	p1 =	seq.s32 s21, $0x18;
	s7 =	sadd.s32 s2, s7;
	[tilespmem:s17+$0x70] =	vst v0  }
0x11d: {  	[hbm4b:s7+s3] =	stream.linear.scatter [tilespmem:s29], [sflag:$0x7], $0x4000, $0x38;
	[tilespmem:$0x1CB00] =	vst v63  }
0x11e: {  	s9 =	simm.s32 @!p1 $0x4B00;
	s8 =	simm.s32 @!p1 $0x80;
	s7 =	sadd.s32 @!p1 $0x100, s23  }
0x11f: {  	[tilespmem:s9], [sflag:$0x1] =	stream.indirect.gather @!p1 [hbm4b:s4+s8], $0x80, s7, s8, $0xb8;
	[tilespmem:$0x1CB00] =	vst v63  }
0x120: {  	s7 =	sadd.s32 @!p1 $0x1A00, s23;
	s9 =	simm.s32 @!p1 $0xCB00  }
0x121: {  	[tilespmem:s9], [sflag:$0x2] =	stream.indirect.gather @!p1 [hbm4b:s5+s8], $0x40, s7, s8, $0xb8;
	[tilespmem:$0x1CB00] =	vst v63  }
0x122: {  	s7 =	sadd.s32 @!p1 $0x3300, s23;
	s9 =	simm.s32 @!p1 $0x10B00  }
0x123: {  	[tilespmem:s9], [sflag:$0x3] =	stream.indirect.gather @!p1 [hbm4b:s6+s8], $0x40, s7, s8, $0xb8;
	[tilespmem:$0x1CB00] =	vst v63  }
0x124: {  	_ =	swait.ge [sflag:s30], $0x4000  }
0x125: {  	[sflag:s30] =	ssyncset.done $0x0  }
0x126: {  	[sflag:s30] =	ssyncadd.s32 $0xFFFFC000  }
0x127: {  	_ =	swait.ge [sflag:s31], $0x2000  }
0x128: {  	[sflag:s31] =	ssyncset.done $0x0  }
0x129: {  	[sflag:s31] =	ssyncadd.s32 $0xFFFFE000  }
0x12a: {  	_ =	swait.ge [sflag:s1], $0x2000  }
0x12b: {  	[sflag:s1] =	ssyncset.done $0x0  }
0x12c: {  	s7 =	simm.s32 @!p0 $0x8;
	[sflag:s1] =	ssyncadd.s32 $0xFFFFE000  }
0x12d: {  	_ =	swait.ge @!p0 [sflag:s7], $0x4000  }
0x12e: {  	[sflag:s7] =	ssyncset.done @!p0 $0x0  }
0x12f: {  	s22 =	simm.s32 $0xEB80;
	[sflag:s7] =	ssyncadd.s32 @!p0 $0xFFFFC000  }
0x130: {  	s15 =	simm.s32 $0x8C00;
	v0 =	vld [tilespmem:s22+$0x40]  }
0x131: {  	s13 =	simm.s32 $0x12B80;
	v1 =	vld [tilespmem:s15+$0x80]  }
0x132: {  	v2 =	vld [tilespmem:s13+$0x40];
	_ =	sdelay $0x2  }
0x133: {  	v3 =	vunpack.i.l.bf16.f32 v0  }
0x134: {  	v1 =	vadd.f32 v1, v3  }
0x135: {  	v5 =	vld [tilespmem:s22+$0xFFFFFF80];
	v4 =	vunpack.i.l.bf16.f32 v2  }
0x136: {  	v6 =	vld [tilespmem:s13+$0xFFFFFF80];
	v1 =	vadd.f32 v1, v4  }
0x137: {  	s14 =	simm.s32 $0x18C00;
	v4 =	vld [tilespmem:s15+$0xFFFFFF00]  }
0x138: {  	v7 =	vld [tilespmem:s22+$0x0];
	[tilespmem:s14+$0x80] =	vst v1  }
0x139: {  	v1 =	vld [tilespmem:s15+$0xC0]  }
0x13a: {  	v8 =	vld [tilespmem:s15+$0xFFFFFF80]  }
0x13b: {  	v10 =	vunpack.i.l.bf16.f32 v5;
	v3 =	vld [tilespmem:s22+$0xFFFFFFC0]  }
0x13c: {  	v9 =	vld [tilespmem:s15+$0x0];
	v4 =	vadd.f32 v4, v10  }
0x13d: {  	v0 =	vunpack.i.u.bf16.f32 v0;
	v12 =	vunpack.i.l.bf16.f32 v6;
	v10 =	vld [tilespmem:s13+$0xFFFFFFC0]  }
0x13e: {  	v11 =	vld [tilespmem:s13+$0x0];
	v0 =	vadd.f32 v1, v0;
	v1 =	vadd.f32 v4, v12  }
0x13f: {  	v2 =	vunpack.i.u.bf16.f32 v2  }
0x140: {  	v4 =	vunpack.i.l.bf16.f32 v3;
	v0 =	vadd.f32 v0, v2;
	[tilespmem:s14+$0xFFFFFF00] =	vst v1  }
0x141: {  	v4 =	vadd.f32 v8, v4;
	v2 =	vunpack.i.l.bf16.f32 v7;
	v8 =	vld [tilespmem:s15+$0xFFFFFF40]  }
0x142: {  	v1 =	vadd.f32 v9, v2;
	v2 =	vunpack.i.l.bf16.f32 v10;
	[tilespmem:s14+$0xC0] =	vst v0  }
0x143: {  	v0 =	vadd.f32 v4, v2;
	v2 =	vunpack.i.l.bf16.f32 v11;
	v4 =	vld [tilespmem:s22+$0x50]  }
0x144: {  	v1 =	vadd.f32 v1, v2;
	v2 =	vld [tilespmem:s15+$0x90]  }
0x145: {  	v5 =	vunpack.i.u.bf16.f32 v5;
	[tilespmem:s14+$0xFFFFFF80] =	vst v0;
	v0 =	vld [tilespmem:s13+$0x50]  }
0x146: {  	[tilespmem:s14+$0x0] =	vst v1;
	v1 =	vld [tilespmem:s15+$0xFFFFFFC0];
	v5 =	vadd.f32 v8, v5  }
0x147: {  	v6 =	vunpack.i.u.bf16.f32 v6;
	v8 =	vld [tilespmem:s15+$0x40]  }
0x148: {  	v5 =	vadd.f32 v5, v6;
	v6 =	vunpack.i.l.bf16.f32 v4  }
0x149: {  	v2 =	vadd.f32 v2, v6  }
0x14a: {  	v3 =	vunpack.i.u.bf16.f32 v3;
	[tilespmem:s14+$0xFFFFFF40] =	vst v5;
	v5 =	vunpack.i.l.bf16.f32 v0  }
0x14b: {  	v6 =	vunpack.i.u.bf16.f32 v7;
	v1 =	vadd.f32 v1, v3;
	v7 =	vld [tilespmem:s22+$0xFFFFFF90];
	v2 =	vadd.f32 v2, v5  }
0x14c: {  	v3 =	vunpack.i.u.bf16.f32 v10;
	v5 =	vadd.f32 v8, v6;
	v8 =	vld [tilespmem:s15+$0xFFFFFF10]  }
0x14d: {  	v6 =	vunpack.i.u.bf16.f32 v11;
	v1 =	vadd.f32 v1, v3;
	v3 =	vld [tilespmem:s13+$0xFFFFFF90];
	[tilespmem:s14+$0x90] =	vst v2  }
0x14e: {  	v2 =	vadd.f32 v5, v6;
	v5 =	vld [tilespmem:s15+$0xD0]  }
0x14f: {  	[tilespmem:s14+$0xFFFFFFC0] =	vst v1  }
0x150: {  	v1 =	vld [tilespmem:s22+$0xFFFFFFD0]  }
0x151: {  	[tilespmem:s14+$0x40] =	vst v2;
	v9 =	vld [tilespmem:s15+$0xFFFFFF90];
	v6 =	vunpack.i.l.bf16.f32 v7  }
0x152: {  	v4 =	vunpack.i.u.bf16.f32 v4;
	v2 =	vld [tilespmem:s22+$0x10];
	v6 =	vadd.f32 v8, v6  }
0x153: {  	v8 =	vld [tilespmem:s15+$0x10];
	v10 =	vunpack.i.l.bf16.f32 v3;
	v4 =	vadd.f32 v5, v4  }
0x154: {  	v0 =	vunpack.i.u.bf16.f32 v0;
	v5 =	vld [tilespmem:s13+$0xFFFFFFD0];
	v6 =	vadd.f32 v6, v10  }
0x155: {  	v10 =	vld [tilespmem:s13+$0x10];
	v0 =	vadd.f32 v4, v0  }
0x156: {  	[tilespmem:s14+$0xFFFFFF10] =	vst v6  }
0x157: {  	v4 =	vunpack.i.l.bf16.f32 v1;
	v11 =	vunpack.i.l.bf16.f32 v2;
	v6 =	vld [tilespmem:s15+$0xFFFFFF50];
	[tilespmem:s14+$0xD0] =	vst v0  }
0x158: {  	v4 =	vadd.f32 v9, v4;
	v0 =	vadd.f32 v8, v11;
	v8 =	vld [tilespmem:s22+$0x60]  }
0x159: {  	v9 =	vunpack.i.l.bf16.f32 v5;
	v11 =	vld [tilespmem:s15+$0xA0]  }
0x15a: {  	s9 =	simm.s32 $0xEC80;
	v12 =	vld [tilespmem:s13+$0x60];
	v4 =	vadd.f32 v4, v9;
	v9 =	vunpack.i.l.bf16.f32 v10  }
0x15b: {  	s7 =	simm.s32 $0x8E00;
	v14 =	vld [tilespmem:s9+$0xFFFFFFC0];
	v0 =	vadd.f32 v0, v9  }
0x15c: {  	v16 =	vld [tilespmem:s7+$0xFFFFFF00];
	[tilespmem:s14+$0xFFFFFF90] =	vst v4;
	v4 =	vunpack.i.u.bf16.f32 v7  }
0x15d: {  	v17 =	vld [tilespmem:s9+$0x0];
	[tilespmem:s14+$0x10] =	vst v0;
	v0 =	vadd.f32 v6, v4;
	v4 =	vunpack.i.l.bf16.f32 v8  }
0x15e: {  	v3 =	vunpack.i.u.bf16.f32 v3;
	v7 =	vld [tilespmem:s15+$0xFFFFFFD0];
	v4 =	vadd.f32 v11, v4  }
0x15f: {  	v9 =	vld [tilespmem:s9+$0x40];
	v0 =	vadd.f32 v0, v3;
	v3 =	vunpack.i.l.bf16.f32 v12  }
0x160: {  	s8 =	simm.s32 $0x12C80;
	v6 =	vld [tilespmem:s15+$0x50];
	v3 =	vadd.f32 v4, v3  }
0x161: {  	v11 =	vld [tilespmem:s8+$0x40]  }
0x162: {  	v1 =	vunpack.i.u.bf16.f32 v1;
	[tilespmem:s14+$0xA0] =	vst v3;
	v3 =	vunpack.i.u.bf16.f32 v10;
	v10 =	vld [tilespmem:s7+$0x80]  }
0x163: {  	[tilespmem:s14+$0xFFFFFF50] =	vst v0;
	v0 =	vadd.f32 v7, v1;
	v1 =	vunpack.i.u.bf16.f32 v5;
	v5 =	vld [tilespmem:s15+$0xE0]  }
0x164: {  	v18 =	vld [tilespmem:s7+$0xFFFFFF80];
	v2 =	vunpack.i.u.bf16.f32 v2  }
0x165: {  	v22 =	vld [tilespmem:s7+$0x0];
	v2 =	vadd.f32 v6, v2;
	v0 =	vadd.f32 v0, v1  }
0x166: {  	v13 =	vunpack.i.l.bf16.f32 v9;
	v4 =	vld [tilespmem:s22+$0xFFFFFFA0]  }
0x167: {  	v6 =	vld [tilespmem:s15+$0xFFFFFF20];
	v1 =	vadd.f32 v2, v3;
	[tilespmem:s14+$0xFFFFFFD0] =	vst v0;
	v0 =	vunpack.i.u.bf16.f32 v8;
	v10 =	vadd.f32 v10, v13  }
0x168: {  	v15 =	vunpack.i.l.bf16.f32 v11;
	v3 =	vld [tilespmem:s13+$0xFFFFFFA0];
	v0 =	vadd.f32 v5, v0  }
0x169: {  	v7 =	vld [tilespmem:s22+$0xFFFFFFE0];
	[tilespmem:s14+$0x50] =	vst v1;
	v1 =	vunpack.i.u.bf16.f32 v12;
	v10 =	vadd.f32 v10, v15  }
0x16a: {  	s12 =	simm.s32 $0x18E00;
	v13 =	vld [tilespmem:s9+$0xFFFFFF80];
	v0 =	vadd.f32 v0, v1  }
0x16b: {  	v15 =	vld [tilespmem:s8+$0xFFFFFF80];
	[tilespmem:s12+$0x80] =	vst v10  }
0x16c: {  	[tilespmem:s14+$0xE0] =	vst v0;
	v10 =	vld [tilespmem:s7+$0xC0]  }
0x16d: {  	v1 =	vld [tilespmem:s22+$0x70]  }
0x16e: {  	v12 =	vld [tilespmem:s15+$0xB0]  }
0x16f: {  	v0 =	vld [tilespmem:s13+$0x70]  }
0x170: {  	v53 =	vunpack.i.l.bf16.f32 v4;
	v2 =	vld [tilespmem:s22+$0x20];
	v19 =	vunpack.i.l.bf16.f32 v13  }
0x171: {  	v59 =	vunpack.i.l.bf16.f32 v14;
	v6 =	vadd.f32 v6, v53;
	v16 =	vadd.f32 v16, v19;
	v19 =	vld [tilespmem:s8+$0xFFFFFFC0]  }
0x172: {  	v9 =	vunpack.i.u.bf16.f32 v9;
	v8 =	vld [tilespmem:s15+$0x20];
	v57 =	vunpack.i.l.bf16.f32 v3;
	v54 =	vunpack.i.l.bf16.f32 v1  }
0x173: {  	v5 =	vld [tilespmem:s15+$0xFFFFFFA0];
	v6 =	vadd.f32 v6, v57;
	v55 =	vunpack.i.l.bf16.f32 v15;
	v12 =	vadd.f32 v12, v54  }
0x174: {  	v16 =	vadd.f32 v16, v55;
	v9 =	vadd.f32 v10, v9;
	v10 =	vld [tilespmem:s13+$0x20];
	v56 =	vunpack.i.l.bf16.f32 v0  }
0x175: {  	v23 =	vld [tilespmem:s8+$0x0];
	v18 =	vadd.f32 v18, v59;
	v11 =	vunpack.i.u.bf16.f32 v11;
	[tilespmem:s14+$0xFFFFFF20] =	vst v6;
	v12 =	vadd.f32 v12, v56  }
0x176: {  	v58 =	vld [tilespmem:s13+$0xFFFFFFE0];
	v6 =	vunpack.i.l.bf16.f32 v2;
	[tilespmem:s12+$0xFFFFFF00] =	vst v16;
	v61 =	vunpack.i.l.bf16.f32 v19;
	v9 =	vadd.f32 v9, v11  }
0x177: {  	v6 =	vadd.f32 v8, v6;
	v16 =	vunpack.i.l.bf16.f32 v7;
	v8 =	vadd.f32 v18, v61;
	[tilespmem:s14+$0xB0] =	vst v12;
	v12 =	vld [tilespmem:s7+$0xFFFFFF40]  }
0x178: {  	v5 =	vadd.f32 v5, v16;
	v16 =	vld [tilespmem:s15+$0xFFFFFF60];
	v11 =	vunpack.i.l.bf16.f32 v17;
	[tilespmem:s12+$0xC0] =	vst v9  }
0x179: {  	v11 =	vadd.f32 v22, v11;
	[tilespmem:s12+$0xFFFFFF80] =	vst v8;
	v18 =	vld [tilespmem:s9+$0x50];
	v8 =	vunpack.i.l.bf16.f32 v10  }
0x17a: {  	v9 =	vunpack.i.l.bf16.f32 v23;
	v6 =	vadd.f32 v6, v8;
	v8 =	vld [tilespmem:s7+$0xFFFFFFC0]  }
0x17b: {  	v13 =	vunpack.i.u.bf16.f32 v13;
	v9 =	vadd.f32 v11, v9;
	v11 =	vunpack.i.l.bf16.f32 v58;
	v62 =	vld [tilespmem:s7+$0x90]  }
0x17c: {  	v5 =	vadd.f32 v5, v11;
	v11 =	vadd.f32 v12, v13;
	v12 =	vld [tilespmem:s8+$0x50]  }
0x17d: {  	v4 =	vunpack.i.u.bf16.f32 v4;
	v60 =	vld [tilespmem:s15+$0xF0];
	[tilespmem:s12+$0x0] =	vst v9;
	v13 =	vunpack.i.u.bf16.f32 v15  }
0x17e: {  	v4 =	vadd.f32 v16, v4;
	[tilespmem:s14+$0xFFFFFFA0] =	vst v5;
	v9 =	vld [tilespmem:s7+$0x40];
	v5 =	vadd.f32 v11, v13;
	v13 =	vunpack.i.u.bf16.f32 v14  }
0x17f: {  	v3 =	vunpack.i.u.bf16.f32 v3;
	[tilespmem:s14+$0x20] =	vst v6;
	v6 =	vunpack.i.l.bf16.f32 v18;
	v11 =	vld [tilespmem:s15+$0xFFFFFFE0];
	v8 =	vadd.f32 v8, v13  }
0x180: {  	v3 =	vadd.f32 v4, v3;
	v13 =	vunpack.i.u.bf16.f32 v19;
	[tilespmem:s12+$0xFFFFFF40] =	vst v5;
	v5 =	vadd.f32 v62, v6;
	v6 =	vld [tilespmem:s15+$0x60]  }
0x181: {  	v4 =	vld [tilespmem:s9+$0xFFFFFF90];
	v14 =	vunpack.i.l.bf16.f32 v12;
	v8 =	vadd.f32 v8, v13  }
0x182: {  	[tilespmem:s14+$0xFFFFFF60] =	vst v3;
	v15 =	vunpack.i.u.bf16.f32 v17;
	v16 =	vld [tilespmem:s7+$0xFFFFFF10];
	v5 =	vadd.f32 v5, v14  }
0x183: {  	v9 =	vadd.f32 v9, v15;
	v3 =	vld [tilespmem:s8+$0xFFFFFF90];
	[tilespmem:s12+$0xFFFFFFC0] =	vst v8  }
0x184: {  	v14 =	vunpack.i.u.bf16.f32 v23;
	v8 =	vld [tilespmem:s15+$0xFFFFFF30];
	[tilespmem:s12+$0x90] =	vst v5  }
0x185: {  	v9 =	vadd.f32 v9, v14;
	v13 =	vld [tilespmem:s7+$0xD0]  }
0x186: {  	v5 =	vld [tilespmem:s22+$0xFFFFFFB0]  }
0x187: {  	v15 =	vld [tilespmem:s9+$0xFFFFFFD0];
	[tilespmem:s12+$0x40] =	vst v9;
	v14 =	vunpack.i.l.bf16.f32 v4  }
0x188: {  	v7 =	vunpack.i.u.bf16.f32 v7;
	v9 =	vadd.f32 v16, v14;
	v14 =	vld [tilespmem:s9+$0x10]  }
0x189: {  	v17 =	vunpack.i.u.bf16.f32 v18;
	v7 =	vadd.f32 v11, v7;
	v11 =	vunpack.i.l.bf16.f32 v3;
	v16 =	vld [tilespmem:s7+$0xFFFFFF90]  }
0x18a: {  	v18 =	vunpack.i.u.bf16.f32 v58;
	v9 =	vadd.f32 v9, v11;
	v11 =	vld [tilespmem:s7+$0x10];
	v13 =	vadd.f32 v13, v17  }
0x18b: {  	v1 =	vunpack.i.u.bf16.f32 v1;
	v12 =	vunpack.i.u.bf16.f32 v12;
	v7 =	vadd.f32 v7, v18;
	v17 =	vld [tilespmem:s8+$0xFFFFFFD0]  }
0x18c: {  	v2 =	vunpack.i.u.bf16.f32 v2;
	v1 =	vadd.f32 v60, v1;
	[tilespmem:s12+$0xFFFFFF10] =	vst v9;
	v9 =	vld [tilespmem:s8+$0x10];
	v12 =	vadd.f32 v13, v12  }
0x18d: {  	v0 =	vunpack.i.u.bf16.f32 v0;
	v2 =	vadd.f32 v6, v2;
	[tilespmem:s14+$0xFFFFFFE0] =	vst v7;
	v6 =	vld [tilespmem:s7+$0xFFFFFF50]  }
0x18e: {  	v18 =	vadd.f32 v1, v0;
	v7 =	vunpack.i.u.bf16.f32 v10;
	[tilespmem:s12+$0xD0] =	vst v12;
	v12 =	vld [tilespmem:s22+$0xFFFFFFF0]  }
0x18f: {  	v2 =	vadd.f32 v2, v7;
	v10 =	vunpack.i.l.bf16.f32 v15;
	v1 =	vunpack.i.l.bf16.f32 v5;
	v13 =	vld [tilespmem:s9+$0x60]  }
0x190: {  	v63 =	vadd.f32 v8, v1;
	v7 =	vunpack.i.l.bf16.f32 v14;
	v10 =	vadd.f32 v16, v10;
	v16 =	vld [tilespmem:s7+$0xA0]  }
0x191: {  	v7 =	vadd.f32 v11, v7;
	v11 =	vunpack.i.l.bf16.f32 v17;
	v8 =	vunpack.i.u.bf16.f32 v17;
	v17 =	vld [tilespmem:s13+$0xFFFFFFB0]  }
0x192: {  	v4 =	vunpack.i.u.bf16.f32 v4;
	[tilespmem:s14+$0x60] =	vst v2;
	v2 =	vadd.f32 v10, v11;
	v10 =	vunpack.i.l.bf16.f32 v9;
	v11 =	vld [tilespmem:s8+$0x60]  }
0x193: {  	v4 =	vadd.f32 v6, v4;
	v6 =	vadd.f32 v7, v10;
	v10 =	vld [tilespmem:s22+$0x30]  }
0x194: {  	v3 =	vunpack.i.u.bf16.f32 v3;
	[tilespmem:s12+$0xFFFFFF90] =	vst v2;
	v2 =	vld [tilespmem:s15+$0xFFFFFFB0]  }
0x195: {  	v3 =	vadd.f32 v4, v3;
	v4 =	vld [tilespmem:s7+$0xFFFFFFD0];
	[tilespmem:s12+$0x10] =	vst v6;
	v6 =	vunpack.i.l.bf16.f32 v13  }
0x196: {  	v7 =	vld [tilespmem:s7+$0x50];
	v6 =	vadd.f32 v16, v6  }
0x197: {  	[tilespmem:s12+$0xFFFFFF50] =	vst v3;
	v3 =	vunpack.i.l.bf16.f32 v11;
	v16 =	vld [tilespmem:s15+$0x30]  }
0x198: {  	v19 =	vld [tilespmem:s9+$0xFFFFFFA0];
	v3 =	vadd.f32 v6, v3  }
0x199: {  	v0 =	vunpack.i.u.bf16.f32 v5;
	v1 =	vunpack.i.u.bf16.f32 v15;
	v5 =	vld [tilespmem:s7+$0xFFFFFF20]  }
0x19a: {  	v6 =	vunpack.i.u.bf16.f32 v14;
	v14 =	vld [tilespmem:s8+$0xFFFFFFA0];
	v4 =	vadd.f32 v4, v1;
	[tilespmem:s12+$0xA0] =	vst v3  }
0x19b: {  	[tilespmem:s14+$0xF0] =	vst v18;
	v18 =	vunpack.i.l.bf16.f32 v17;
	v3 =	vunpack.i.u.bf16.f32 v9;
	v6 =	vadd.f32 v7, v6;
	v9 =	vld [tilespmem:s7+$0xE0]  }
0x19c: {  	v1 =	vunpack.i.u.bf16.f32 v12;
	v7 =	vunpack.i.l.bf16.f32 v12;
	v4 =	vadd.f32 v4, v8  }
0x19d: {  	v12 =	vunpack.i.l.bf16.f32 v10;
	v8 =	vunpack.i.l.bf16.f32 v19;
	v3 =	vadd.f32 v6, v3;
	v6 =	vld [tilespmem:s13+$0xFFFFFFF0]  }
0x19e: {  	v7 =	vadd.f32 v2, v7;
	v2 =	vunpack.i.u.bf16.f32 v10;
	v15 =	vadd.f32 v5, v8;
	[tilespmem:s12+$0xFFFFFFD0] =	vst v4;
	v8 =	vld [tilespmem:s13+$0x30]  }
0x19f: {  	v10 =	vadd.f32 v16, v12;
	v16 =	vunpack.i.l.bf16.f32 v14;
	v12 =	vld [tilespmem:s9+$0xFFFFFFE0];
	[tilespmem:s12+$0x50] =	vst v3;
	v3 =	vunpack.i.u.bf16.f32 v13  }
0x1a0: {  	v5 =	vunpack.i.u.bf16.f32 v14;
	v14 =	vadd.f32 v15, v16;
	v13 =	vld [tilespmem:s9+$0x20];
	v9 =	vadd.f32 v9, v3  }
0x1a1: {  	s19 =	simm.s32 $0x4;
	s18 =	simm.s32 $0x18E00;
	s20 =	simm.s32 $0x9000;
	v11 =	vunpack.i.u.bf16.f32 v11;
	v4 =	vunpack.i.u.bf16.f32 v19;
	v15 =	vld [tilespmem:s7+$0xFFFFFFA0];
	v3 =	vunpack.i.u.bf16.f32 v17  }
0x1a2: {  	s17 =	sadd.s32 s23, s11;
	s22 =	simm.s32 $0x12C80;
	s13 =	simm.s32 $0xEC80;
	v16 =	vld [tilespmem:s7+$0x20];
	[tilespmem:s12+$0xFFFFFF20] =	vst v14;
	v14 =	vunpack.i.l.bf16.f32 v6;
	v17 =	vadd.f32 v9, v11;
	v11 =	vadd.f32 v63, v18  }
.LBB2_5:
0x1a3: {  	v18 =	vld [tilespmem:s20+$0x80];
	s9 =	sadd.s32 $0x100, s9;
	v9 =	vunpack.i.u.bf16.f32 v6;
	v14 =	vadd.f32 v7, v14;
	v7 =	vunpack.i.l.bf16.f32 v8  }
0x1a4: {  	v19 =	vld [tilespmem:s9+$0x40];
	v6 =	vunpack.i.u.bf16.f32 v12;
	v12 =	vunpack.i.l.bf16.f32 v12;
	[tilespmem:s12+$0xE0] =	vst v17;
	v10 =	vadd.f32 v10, v7  }
0x1a5: {  	v8 =	vunpack.i.u.bf16.f32 v8;
	v7 =	vunpack.i.u.bf16.f32 v13;
	v13 =	vunpack.i.l.bf16.f32 v13;
	v17 =	vld [tilespmem:s13+$0x70];
	[tilespmem:s14+$0xFFFFFF30] =	vst v11  }
0x1a6: {  	s19 =	sadd.s32 $0x4, s19;
	v11 =	vadd.f32 v15, v12;
	v12 =	vld [tilespmem:s7+$0xB0];
	[tilespmem:s14+$0xFFFFFFB0] =	vst v14  }
0x1a7: {  	s22 =	sadd.s32 $0x100, s22;
	p0 =	slt.u32 s19, $0x7C;
	v13 =	vadd.f32 v16, v13;
	v14 =	vld [tilespmem:s8+$0x70];
	[tilespmem:s14+$0x30] =	vst v10  }
0x1a8: {  	v10 =	vld [tilespmem:s22+$0x40]  }
0x1a9: {  	v15 =	vld [tilespmem:s9+$0xFFFFFFC0]  }
0x1aa: {  	v16 =	vld [tilespmem:s9+$0x0];
	v20 =	vunpack.i.l.bf16.f32 v17  }
0x1ab: {  	v22 =	vunpack.i.l.bf16.f32 v19;
	v21 =	vld [tilespmem:s9+$0xFFFFFF80];
	v12 =	vadd.f32 v12, v20  }
0x1ac: {  	v18 =	vadd.f32 v18, v22;
	v20 =	vld [tilespmem:s20+$0xFFFFFF00];
	v22 =	vunpack.i.l.bf16.f32 v14  }
0x1ad: {  	v23 =	vld [tilespmem:s20+$0xFFFFFF80];
	v24 =	vunpack.i.l.bf16.f32 v10;
	v12 =	vadd.f32 v12, v22  }
0x1ae: {  	v22 =	vunpack.i.u.bf16.f32 v15;
	v15 =	vunpack.i.l.bf16.f32 v15;
	v25 =	vld [tilespmem:s20+$0x0];
	v18 =	vadd.f32 v18, v24  }
0x1af: {  	s12 =	sadd.s32 $0x200, s12;
	v24 =	vld [tilespmem:s22+$0xFFFFFF80];
	v26 =	vunpack.i.u.bf16.f32 v16;
	v16 =	vunpack.i.l.bf16.f32 v16;
	[tilespmem:s18+$0xB0] =	vst v12  }
0x1b0: {  	v12 =	vunpack.i.u.bf16.f32 v21;
	v21 =	vunpack.i.l.bf16.f32 v21;
	[tilespmem:s12+$0x80] =	vst v18;
	v18 =	vld [tilespmem:s7+$0xF0]  }
0x1b1: {  	v20 =	vadd.f32 v20, v21;
	v21 =	vld [tilespmem:s20+$0xC0]  }
0x1b2: {  	v27 =	vld [tilespmem:s22+$0xFFFFFFC0];
	v15 =	vadd.f32 v23, v15  }
0x1b3: {  	v23 =	vld [tilespmem:s22+$0x0];
	v16 =	vadd.f32 v25, v16  }
0x1b4: {  	v17 =	vunpack.i.u.bf16.f32 v17;
	v25 =	vunpack.i.u.bf16.f32 v24;
	v24 =	vunpack.i.l.bf16.f32 v24;
	v28 =	vld [tilespmem:s8+$0xFFFFFFE0]  }
0x1b5: {  	v19 =	vunpack.i.u.bf16.f32 v19;
	v20 =	vadd.f32 v20, v24;
	v24 =	vld [tilespmem:s8+$0x20];
	v17 =	vadd.f32 v18, v17  }
0x1b6: {  	v14 =	vunpack.i.u.bf16.f32 v14;
	v18 =	vadd.f32 v21, v19;
	v19 =	vld [tilespmem:s7+$0xFFFFFF60]  }
0x1b7: {  	v10 =	vunpack.i.u.bf16.f32 v10;
	[tilespmem:s12+$0xFFFFFF00] =	vst v20;
	v20 =	vunpack.i.l.bf16.f32 v27;
	v14 =	vadd.f32 v17, v14;
	v17 =	vld [tilespmem:s15+$0xFFFFFF70]  }
0x1b8: {  	v21 =	vld [tilespmem:s20+$0xFFFFFF40];
	v15 =	vadd.f32 v15, v20;
	v20 =	vunpack.i.l.bf16.f32 v23;
	v10 =	vadd.f32 v18, v10  }
0x1b9: {  	v18 =	vunpack.i.u.bf16.f32 v27;
	v23 =	vunpack.i.u.bf16.f32 v23;
	v16 =	vadd.f32 v16, v20;
	[tilespmem:s18+$0xF0] =	vst v14;
	v14 =	vld [tilespmem:s15+$0xFFFFFFF0]  }
0x1ba: {  	v20 =	vunpack.i.l.bf16.f32 v28;
	[tilespmem:s12+$0xC0] =	vst v10;
	v10 =	vunpack.i.u.bf16.f32 v28;
	v27 =	vunpack.i.l.bf16.f32 v24;
	v28 =	vld [tilespmem:s15+$0x70];
	s15 =	smov.u32 s7;
	s7 =	smov.u32 s20  }
0x1bb: {  	v11 =	vadd.f32 v11, v20;
	v20 =	vunpack.i.u.bf16.f32 v24;
	[tilespmem:s12+$0xFFFFFF80] =	vst v15;
	v15 =	vld [tilespmem:s9+$0x50];
	v13 =	vadd.f32 v13, v27  }
0x1bc: {  	v4 =	vadd.f32 v19, v4;
	[tilespmem:s12+$0x0] =	vst v16;
	v16 =	vld [tilespmem:s20+$0x90];
	v0 =	vadd.f32 v17, v0  }
0x1bd: {  	v12 =	vadd.f32 v21, v12;
	v17 =	vld [tilespmem:s22+$0x50];
	[tilespmem:s18+$0xFFFFFFA0] =	vst v11  }
0x1be: {  	v4 =	vadd.f32 v4, v5;
	v11 =	vld [tilespmem:s20+$0xFFFFFFC0];
	[tilespmem:s18+$0x20] =	vst v13;
	v1 =	vadd.f32 v14, v1  }
0x1bf: {  	v5 =	vadd.f32 v12, v25;
	v12 =	vld [tilespmem:s20+$0x40];
	v2 =	vadd.f32 v28, v2  }
0x1c0: {  	v0 =	vadd.f32 v0, v3;
	v13 =	vunpack.i.l.bf16.f32 v15;
	[tilespmem:s18+$0xFFFFFF60] =	vst v4;
	v4 =	vld [tilespmem:s15+$0xFFFFFFE0];
	v1 =	vadd.f32 v1, v9  }
0x1c1: {  	[tilespmem:s12+$0xFFFFFF40] =	vst v5;
	v3 =	vadd.f32 v16, v13;
	v5 =	vld [tilespmem:s15+$0x60];
	v2 =	vadd.f32 v2, v8  }
0x1c2: {  	v8 =	vld [tilespmem:s9+$0xFFFFFF90];
	v9 =	vunpack.i.l.bf16.f32 v17;
	[tilespmem:s14+$0xFFFFFF70] =	vst v0  }
0x1c3: {  	v0 =	vld [tilespmem:s20+$0xFFFFFF10];
	v11 =	vadd.f32 v11, v22;
	v3 =	vadd.f32 v3, v9;
	[tilespmem:s14+$0xFFFFFFF0] =	vst v1  }
0x1c4: {  	v1 =	vld [tilespmem:s22+$0xFFFFFF90];
	v9 =	vadd.f32 v12, v26;
	[tilespmem:s14+$0x70] =	vst v2;
	s14 =	smov.u32 s18;
	s18 =	smov.u32 s12  }
0x1c5: {  	v2 =	vadd.f32 v11, v18;
	[tilespmem:s12+$0x90] =	vst v3;
	v3 =	vld [tilespmem:s13+$0xFFFFFFB0];
	v4 =	vadd.f32 v4, v6  }
0x1c6: {  	v6 =	vadd.f32 v9, v23;
	v9 =	vld [tilespmem:s20+$0xD0];
	v5 =	vadd.f32 v5, v7  }
0x1c7: {  	v7 =	vunpack.i.u.bf16.f32 v8;
	v8 =	vunpack.i.l.bf16.f32 v8;
	[tilespmem:s12+$0xFFFFFFC0] =	vst v2;
	v2 =	vld [tilespmem:s15+$0xFFFFFF30];
	v4 =	vadd.f32 v4, v10  }
0x1c8: {  	v0 =	vadd.f32 v0, v8;
	v8 =	vld [tilespmem:s9+$0xFFFFFFD0];
	[tilespmem:s12+$0x40] =	vst v6;
	v5 =	vadd.f32 v5, v20  }
0x1c9: {  	v6 =	vunpack.i.u.bf16.f32 v1;
	v1 =	vunpack.i.l.bf16.f32 v1;
	v10 =	vld [tilespmem:s9+$0x10];
	[tilespmem:s14+$0xFFFFFFE0] =	vst v4  }
0x1ca: {  	v1 =	vadd.f32 v0, v1;
	v4 =	vld [tilespmem:s20+$0xFFFFFF90];
	v0 =	vunpack.i.u.bf16.f32 v15;
	v11 =	vunpack.i.l.bf16.f32 v3;
	[tilespmem:s14+$0x60] =	vst v5  }
0x1cb: {  	v5 =	vld [tilespmem:s20+$0x10];
	v9 =	vadd.f32 v9, v0;
	v0 =	vunpack.i.u.bf16.f32 v3  }
0x1cc: {  	v3 =	vunpack.i.u.bf16.f32 v17;
	[tilespmem:s12+$0xFFFFFF10] =	vst v1;
	v1 =	vld [tilespmem:s22+$0xFFFFFFD0];
	v11 =	vadd.f32 v2, v11  }
0x1cd: {  	v12 =	vunpack.i.u.bf16.f32 v8;
	v2 =	vunpack.i.l.bf16.f32 v8;
	v8 =	vld [tilespmem:s22+$0x10];
	v3 =	vadd.f32 v9, v3  }
0x1ce: {  	v9 =	vld [tilespmem:s20+$0xFFFFFF50];
	v13 =	vunpack.i.u.bf16.f32 v10;
	v10 =	vunpack.i.l.bf16.f32 v10  }
0x1cf: {  	v2 =	vadd.f32 v4, v2;
	[tilespmem:s12+$0xD0] =	vst v3;
	v3 =	vld [tilespmem:s13+$0xFFFFFFF0]  }
0x1d0: {  	v4 =	vadd.f32 v5, v10;
	v14 =	vld [tilespmem:s9+$0x60]  }
0x1d1: {  	v5 =	vunpack.i.u.bf16.f32 v1;
	v1 =	vunpack.i.l.bf16.f32 v1;
	v10 =	vld [tilespmem:s20+$0xA0]  }
0x1d2: {  	v1 =	vadd.f32 v2, v1;
	v15 =	vunpack.i.u.bf16.f32 v8;
	v2 =	vunpack.i.l.bf16.f32 v8;
	v16 =	vld [tilespmem:s22+$0x60]  }
0x1d3: {  	v7 =	vadd.f32 v9, v7;
	v2 =	vadd.f32 v4, v2;
	v4 =	vld [tilespmem:s13+$0x30];
	s13 =	smov.u32 s9  }
0x1d4: {  	[tilespmem:s12+$0xFFFFFF90] =	vst v1;
	v1 =	vunpack.i.u.bf16.f32 v3;
	v3 =	vunpack.i.l.bf16.f32 v3;
	v8 =	vld [tilespmem:s15+$0xFFFFFFB0]  }
0x1d5: {  	v6 =	vadd.f32 v7, v6;
	v9 =	vld [tilespmem:s20+$0xFFFFFFD0];
	[tilespmem:s12+$0x10] =	vst v2;
	v2 =	vunpack.i.l.bf16.f32 v14  }
0x1d6: {  	v17 =	vld [tilespmem:s20+$0x50];
	v2 =	vadd.f32 v10, v2  }
0x1d7: {  	[tilespmem:s12+$0xFFFFFF50] =	vst v6;
	v6 =	vunpack.i.l.bf16.f32 v16;
	v10 =	vld [tilespmem:s15+$0x30]  }
0x1d8: {  	v18 =	vld [tilespmem:s9+$0xFFFFFFA0];
	v6 =	vadd.f32 v2, v6;
	v2 =	vunpack.i.u.bf16.f32 v4;
	v4 =	vunpack.i.l.bf16.f32 v4  }
0x1d9: {  	v19 =	vld [tilespmem:s20+$0xFFFFFF20];
	v7 =	vadd.f32 v8, v3  }
0x1da: {  	v3 =	vld [tilespmem:s22+$0xFFFFFFA0];
	v8 =	vadd.f32 v9, v12;
	[tilespmem:s12+$0xA0] =	vst v6  }
0x1db: {  	v6 =	vadd.f32 v17, v13;
	v9 =	vld [tilespmem:s20+$0xE0]  }
0x1dc: {  	v5 =	vadd.f32 v8, v5;
	v17 =	vld [tilespmem:s8+$0xFFFFFFB0];
	v10 =	vadd.f32 v10, v4  }
0x1dd: {  	v4 =	vunpack.i.u.bf16.f32 v18;
	v8 =	vunpack.i.l.bf16.f32 v18;
	v13 =	vadd.f32 v6, v15;
	v6 =	vld [tilespmem:s8+$0xFFFFFFF0]  }
.Ltmp3:
0x1de: {  	v15 =	vadd.f32 v19, v8;
	[tilespmem:s12+$0xFFFFFFD0] =	vst v5;
	v8 =	vld [tilespmem:s8+$0x30];
	s8 =	smov.u32 s22;
	(pc) =	sbr.rel @p0 .LBB2_5-.Ltmp3, $4  }
0x1df: {  	v14 =	vunpack.i.u.bf16.f32 v14;
	v5 =	vunpack.i.u.bf16.f32 v3;
	v3 =	vunpack.i.l.bf16.f32 v3;
	v12 =	vld [tilespmem:s9+$0xFFFFFFE0];
	[tilespmem:s12+$0x50] =	vst v13  }
0x1e0: {  	v18 =	vadd.f32 v15, v3;
	v13 =	vld [tilespmem:s9+$0x20];
	v9 =	vadd.f32 v9, v14  }
0x1e1: {  	v14 =	vunpack.i.u.bf16.f32 v16;
	v15 =	vld [tilespmem:s20+$0xFFFFFFA0];
	v3 =	vunpack.i.u.bf16.f32 v17;
	v19 =	vunpack.i.l.bf16.f32 v17  }
0x1e2: {  	s20 =	sadd.s32 $0x200, s20;
	[tilespmem:s12+$0xFFFFFF20] =	vst v18;
	v16 =	vld [tilespmem:s7+$0x20];
	v17 =	vadd.f32 v9, v14;
	v11 =	vadd.f32 v11, v19;
	v14 =	vunpack.i.l.bf16.f32 v6  }
0x1e3: {  	v9 =	vld [tilespmem:s8+$0xFFFFFFE0]  }
0x1e4: {  	v18 =	vld [tilespmem:s8+$0x20];
	_ =	sdelay $0x1  }
0x1e5: {  	v19 =	vunpack.i.l.bf16.f32 v12  }
0x1e6: {  	v20 =	vunpack.i.l.bf16.f32 v13;
	v15 =	vadd.f32 v15, v19  }
0x1e7: {  	v16 =	vadd.f32 v16, v20;
	v62 =	vunpack.i.l.bf16.f32 v9  }
0x1e8: {  	v24 =	vld [tilespmem:s7+$0xFFFFFF60];
	v63 =	vunpack.i.l.bf16.f32 v18;
	v15 =	vadd.f32 v15, v62  }
0x1e9: {  	v16 =	vadd.f32 v16, v63  }
0x1ea: {  	[tilespmem:s18+$0xFFFFFFA0] =	vst v15  }
0x1eb: {  	[tilespmem:s18+$0x20] =	vst v16;
	v15 =	vld [tilespmem:s7+$0xFFFFFFE0]  }
0x1ec: {  	v16 =	vld [tilespmem:s7+$0x60]  }
0x1ed: {  	v4 =	vadd.f32 v24, v4  }
0x1ee: {  	[tilespmem:s12+$0xE0] =	vst v17  }
0x1ef: {  	v25 =	vunpack.i.u.bf16.f32 v12;
	v17 =	vld [tilespmem:s13+$0x70];
	v4 =	vadd.f32 v4, v5  }
0x1f0: {  	v26 =	vunpack.i.u.bf16.f32 v13;
	v28 =	vld [tilespmem:s7+$0xB0];
	v27 =	vadd.f32 v15, v25  }
0x1f1: {  	v29 =	vld [tilespmem:s8+$0x70];
	v9 =	vunpack.i.u.bf16.f32 v9;
	[tilespmem:s18+$0xFFFFFF60] =	vst v4;
	v13 =	vadd.f32 v16, v26  }
0x1f2: {  	v30 =	vunpack.i.u.bf16.f32 v18;
	v32 =	vld [tilespmem:s13+$0xFFFFFFB0];
	v31 =	vadd.f32 v27, v9  }
0x1f3: {  	v34 =	vld [tilespmem:s7+$0xFFFFFF30];
	v33 =	vadd.f32 v13, v30  }
0x1f4: {  	v39 =	vld [tilespmem:s8+$0xFFFFFFB0];
	[tilespmem:s18+$0xFFFFFFE0] =	vst v31  }
0x1f5: {  	[tilespmem:s18+$0x60] =	vst v33;
	v4 =	vld [tilespmem:s13+$0xFFFFFFF0]  }
0x1f6: {  	v9 =	vld [tilespmem:s13+$0x30]  }
0x1f7: {  	v35 =	vunpack.i.l.bf16.f32 v17;
	v36 =	vld [tilespmem:s7+$0xFFFFFFB0]  }
0x1f8: {  	v12 =	vadd.f32 v28, v35;
	v37 =	vld [tilespmem:s7+$0x30]  }
0x1f9: {  	v7 =	vadd.f32 v7, v14;
	v38 =	vunpack.i.l.bf16.f32 v29;
	v40 =	vld [tilespmem:s8+$0xFFFFFFF0]  }
0x1fa: {  	v41 =	vunpack.i.l.bf16.f32 v8;
	[tilespmem:s14+$0xFFFFFF30] =	vst v11;
	v12 =	vadd.f32 v12, v38;
	v21 =	vld [tilespmem:s8+$0x30]  }
0x1fb: {  	v10 =	vadd.f32 v10, v41;
	[tilespmem:s14+$0xFFFFFFB0] =	vst v7;
	v42 =	vunpack.i.l.bf16.f32 v32  }
0x1fc: {  	v45 =	vld [tilespmem:s15+$0xFFFFFF70];
	[tilespmem:s18+$0xB0] =	vst v12;
	v12 =	vadd.f32 v34, v42;
	v44 =	vunpack.i.l.bf16.f32 v4  }
0x1fd: {  	[tilespmem:s14+$0x30] =	vst v10;
	v48 =	vld [tilespmem:s15+$0xFFFFFFF0];
	v47 =	vunpack.i.l.bf16.f32 v39;
	v46 =	vunpack.i.l.bf16.f32 v9;
	v13 =	vadd.f32 v36, v44  }
0x1fe: {  	v50 =	vld [tilespmem:s15+$0x70];
	v12 =	vadd.f32 v12, v47;
	v49 =	vunpack.i.l.bf16.f32 v40;
	v14 =	vadd.f32 v37, v46  }
0x1ff: {  	v51 =	vunpack.i.l.bf16.f32 v21;
	v13 =	vadd.f32 v13, v49  }
0x200: {  	v43 =	vld [tilespmem:s7+$0xF0];
	[tilespmem:s18+$0xFFFFFF30] =	vst v12;
	v14 =	vadd.f32 v14, v51  }
0x201: {  	v53 =	vld [tilespmem:s7+$0xFFFFFF70];
	[tilespmem:s18+$0xFFFFFFB0] =	vst v13  }
0x202: {  	v6 =	vunpack.i.u.bf16.f32 v6;
	v0 =	vadd.f32 v45, v0;
	v1 =	vadd.f32 v48, v1;
	[tilespmem:s18+$0x30] =	vst v14;
	v54 =	vld [tilespmem:s7+$0xFFFFFFF0]  }
0x203: {  	v57 =	vunpack.i.u.bf16.f32 v8;
	v52 =	vunpack.i.u.bf16.f32 v17;
	v2 =	vadd.f32 v50, v2;
	v56 =	vld [tilespmem:s7+$0x70]  }
0x204: {  	v55 =	vunpack.i.u.bf16.f32 v29;
	v0 =	vadd.f32 v0, v3;
	v1 =	vadd.f32 v1, v6  }
0x205: {  	v2 =	vadd.f32 v2, v57;
	v59 =	vunpack.i.u.bf16.f32 v32;
	v11 =	vadd.f32 v43, v52  }
0x206: {  	[tilespmem:s14+$0xFFFFFF70] =	vst v0;
	v61 =	vunpack.i.u.bf16.f32 v39;
	v4 =	vunpack.i.u.bf16.f32 v4;
	v3 =	vadd.f32 v53, v59  }
0x207: {  	[tilespmem:s14+$0xFFFFFFF0] =	vst v1;
	v58 =	vadd.f32 v11, v55;
	v60 =	vunpack.i.u.bf16.f32 v9;
	v4 =	vadd.f32 v54, v4  }
0x208: {  	[tilespmem:s14+$0x70] =	vst v2;
	v62 =	vunpack.i.u.bf16.f32 v40;
	v3 =	vadd.f32 v3, v61;
	v0 =	vadd.f32 v56, v60  }
.Ltmp4:
0x209: {  	[tilespmem:s18+$0xF0] =	vst v58;
	v63 =	vunpack.i.u.bf16.f32 v21;
	v1 =	vadd.f32 v4, v62;
	(pc) =	sbr.rel @p1 .LBB2_8-.Ltmp4, $4  }
0x20a: {  	s22 =	sshll.u32 s17, $0x4;
	[tilespmem:s18+$0xFFFFFF70] =	vst v3;
	v0 =	vadd.f32 v0, v63  }
0x20b: {  	s7 =	sand.u32 $0x1FFFF800, s22;
	[tilespmem:s18+$0xFFFFFFF0] =	vst v1  }
0x20c: {  	s7 =	sadd.s32 s2, s7;
	[tilespmem:s18+$0x70] =	vst v0  }
0x20d: {  	[hbm4b:s7+s3] =	stream.linear.scatter [tilespmem:s0], [sflag:$0x8], $0x4000, $0x38;
	[tilespmem:$0x1CB00] =	vst v63  }
0x20e: {  	s7 =	sadd.s32 $0x180, s23;
	s8 =	simm.s32 $0x8B00  }
0x20f: {  	[tilespmem:s8], [sflag:$0x4] =	stream.indirect.gather [hbm4b:s4+s16], $0x80, s7, s16, $0xb8;
	[tilespmem:$0x1CB00] =	vst v63  }
.Ltmp5:
0x210: {  	_ = 	snop;
	(pc) =	sbr.rel .LBB2_2-.Ltmp5, $4  }
0x211: {  	s20 =	sadd.s32 $0x1A80, s23;
	s22 =	simm.s32 $0xEB00  }
0x212: {  	[tilespmem:s22], [sflag:$0x5] =	stream.indirect.gather [hbm4b:s5+s16], $0x40, s20, s16, $0xb8;
	[tilespmem:$0x1CB00] =	vst v63  }
0x213: {  	s23 =	sadd.s32 $0x3380, s23;
	s21 =	sadd.s32 $0x1, s21  }
0x214: {  	[tilespmem:s24], [sflag:$0x6] =	stream.indirect.gather [hbm4b:s6+s16], $0x40, s23, s16, $0xb8;
	[tilespmem:$0x1CB00] =	vst v63  }
.LBB2_9:
0x215: {  	_ =	sfence.sel $0x180000  }
0x216: {  	[bflag:$0x0] =	sbarrier.arrive $0xFFFF  }
0x217: {  	_ =	strace $0x90000047  }
0x218: {  	s0 =	stileid.u32;
	[bflag:$0x2] =	sbarrier.arrive $0xFFFF  }
0x219: {  	p0 =	sne.s32 s0, $0x0;
	s0 =	rddreg [dreg:$0x2]  }
0x21a: {  	s0 =	sadd.s32 @!p0 $0x100000, s0  }
0x21b: {  	[sflag:s0] =	ssyncadd.tile.s32 @!p0 $0x1;
	_ =	shalt  }
.Lfunc_end2:
_tile_overlayer_lowered:
.L_overlay_start_2:
0x21c: {  	(tag) =	ssettag $0x2  }
0x21d: {  	s0 =	rddreg [dreg:$0x0];
	s2 =	stileid.u32  }
0x21e: {  	s1 =	rddreg [dreg:$0x1];
	p0 =	sne.s32 s2, $0x0  }
0x21f: {  	s3 =	rddreg [dreg:$0x2];
	[bflag:$0x3] =	sbarrier.arrive $0xFFFF;
	s2 =	simm.s32 @!p0 $0x1C09  }
0x220: {  	[timem:s3], [sflag:s2] =	dma.local @!p0 [hbm:s0], s1  }
0x221: {  	s0 =	simm.s32 @!p0 $0x9  }
0x222: {  	_ =	swait.ge @!p0 [sflag:s0], s1  }
0x223: {  	s1 =	ssub.s32 @!p0 $0x0, s1;
	[sflag:s0] =	ssyncset.done @!p0 $0x0  }
0x224: {  	[sflag:s0] =	ssyncadd.s32 @!p0 s1  }
0x225: {  	[bflag:$0x3] =	sbarrier.arrive $0xFFFF  }
0x226: {  	_ =	shalt  }

</sc_bundles>
